<compile_context>
chip_gen: v7x
topology: tpu7x:2x2x1
jax: 0.10.2.dev20260603
libtpu: 0.0.44.dev20260713+nightly
codegen_flags: <defaults>
</compile_context>

<pallas_src>
import functools

import jax
import jax.numpy as jnp
from jax import lax
from jax.experimental import pallas as pl
from jax.experimental.pallas import tpu as pltpu
from jax.experimental.pallas import tpu_sc as plsc

EMB = 64
N = 4096 * 200
NC, NS = 2, 16
NW = NC * NS
PER_W = N // NW
CH = 512
NCHUNK = PER_W // CH
IPG = 128
GPC = CH // IPG
NBUF = 3


def _zindex16(v):
    x = v & 0x3FF
    y = lax.shift_right_logical(v, 10)

    def spread(b):
        b = (b | (b << 8)) & 16711935
        b = (b | (b << 4)) & 252645135
        b = (b | (b << 2)) & 858993459
        b = (b | (b << 1)) & 1431655765
        return b

    return (spread(y) << 1) | spread(x)


_MESH = plsc.VectorSubcoreMesh(core_axis_name="c", subcore_axis_name="s")


@functools.partial(
    pl.kernel,
    out_type=jax.ShapeDtypeStruct((N, EMB), jnp.float32),
    mesh=_MESH,
    compiler_params=pltpu.CompilerParams(use_tc_tiling_on_sc=False),
    scratch_types=[
        pltpu.VMEM((PER_W,), jnp.int32),
        pltpu.VMEM((NBUF, CH, EMB), jnp.float32),
        pltpu.SemaphoreType.DMA,
        pltpu.SemaphoreType.DMA,
        pltpu.SemaphoreType.DMA,
        pltpu.SemaphoreType.DMA,
        pltpu.SemaphoreType.DMA,
        pltpu.SemaphoreType.DMA,
    ],
)
def _sc_lookup(loc_hbm, table_hbm, out_hbm, idx_all, rows, sg0, sg1, sg2,
               so0, so1, so2):
    sem_g = (sg0, sg1, sg2)
    sem_o = (so0, so1, so2)
    wid = lax.axis_index("s") * NC + lax.axis_index("c")
    base = wid * PER_W

    pltpu.sync_copy(loc_hbm.at[pl.ds(base, PER_W)], idx_all)

    def zstep(i, carry):
        sl = pl.ds(i * 16, 16)
        idx_all[sl] = _zindex16(idx_all[sl])
        return carry

    lax.fori_loop(0, PER_W // 16, zstep, 0)

    def fire_gathers(c, b):
        for j in range(GPC):
            pltpu.async_copy(
                table_hbm.at[idx_all.at[pl.ds(c * CH + j * IPG, IPG)]],
                rows.at[b].at[pl.ds(j * IPG, IPG)],
                sem_g[b],
            )

    def wait_gathers(c, b):
        for j in range(GPC):
            pltpu.make_async_copy(
                table_hbm.at[idx_all.at[pl.ds(c * CH + j * IPG, IPG)]],
                rows.at[b].at[pl.ds(j * IPG, IPG)],
                sem_g[b],
            ).wait()

    def fire_out(c, b):
        pltpu.async_copy(rows.at[b], out_hbm.at[pl.ds(base + c * CH, CH)],
                         sem_o[b])

    def wait_out(c, b):
        pltpu.make_async_copy(rows.at[b], out_hbm.at[pl.ds(base + c * CH, CH)],
                              sem_o[b]).wait()

    for k in range(NBUF):
        fire_gathers(k, k)

    def step(c, carry):
        @pl.when(jnp.logical_and(c > 0, c + NBUF - 1 < NCHUNK))
        def _refill():
            for b in range(NBUF):

                @pl.when((c - 1) % NBUF == b)
                def _():
                    wait_out(c - 1, b)
                    fire_gathers(c + NBUF - 1, b)

        for b in range(NBUF):

            @pl.when(c % NBUF == b)
            def _drain():
                wait_gathers(c, b)
                fire_out(c, b)

        return carry

    lax.fori_loop(0, NCHUNK, step, 0)

    for k in range(NBUF):
        c = NCHUNK - NBUF + k
        wait_out(c, c % NBUF)


def kernel(location_id, table):
    flat = location_id.reshape(-1)
    out = _sc_lookup(flat, table)
    return out.reshape(location_id.shape + (EMB,))

# --- scband reference (transcript-rebuilt; emitter-appended) ---
"""Pipeline reference for scband-zcurve-location-embedding-58067957842697 (READ-ONLY COPY).

The authoritative reference and input builder live on the scoring server;
editing this copy changes nothing except your own understanding.
"""

import jax, jax.numpy as jnp
import numpy as np

GRID_X = 1024
GRID_Y = 1024
EMB_DIM = 64
MAX_INDEX = 1048576  # interleave_bits(1023, 1023) + 1 = 2**20


def _spread_bits(v):
    v = (v | (v << 8)) & 16711935
    v = (v | (v << 4)) & 252645135
    v = (v | (v << 2)) & 858993459
    v = (v | (v << 1)) & 1431655765
    return v


def _interleave_bits(x, y):
    x_spread = _spread_bits(x)
    y_spread = _spread_bits(y)
    return (y_spread << 1) | x_spread


def setup_inputs(seed: int = 0) -> dict:
    key = jax.random.key(seed)
    k1, k2 = jax.random.split(key)
    location_id = jax.random.randint(k1, (4096, 200), 0, GRID_X * GRID_Y, dtype=jnp.int32)
    # learned embedding table, sized per init_kwargs (max_index x embedding_dim)
    table = jax.random.normal(k2, (MAX_INDEX, EMB_DIM), dtype=jnp.float32)
    return {"location_id": location_id, "table": table}


def reference(location_id, table):
    x = location_id % GRID_X
    y = location_id // GRID_X
    z_index = _interleave_bits(x, y)
    return jnp.take(table, z_index, axis=0)

if __name__ == "__main__":
    import jax
    _d = setup_inputs()
    print(jax.jit(kernel)(*tuple(_d.values())))

</pallas_src>

<mosaic_0001>
#map = affine_map<(d0, d1) -> (0)>
#map1 = affine_map<(d0, d1) -> (0, 0)>
module attributes {stable_mosaic.version = 14 : i64} {
  func.func @_sc_lookup(%arg0: i32, %arg1: i32, %arg2: memref<819200xi32, #tpu.memory_space<hbm>>, %arg3: memref<1048576x64xf32, #tpu.memory_space<hbm>>, %arg4: memref<819200x64xf32, #tpu.memory_space<hbm>>, %arg5: memref<25600xi32, #tpu.memory_space<vmem>>, %arg6: memref<3x512x64xf32, #tpu.memory_space<vmem>>, %arg7: memref<!tpu.dma_semaphore, #tpu.memory_space<semaphore_mem>>, %arg8: memref<!tpu.dma_semaphore, #tpu.memory_space<semaphore_mem>>, %arg9: memref<!tpu.dma_semaphore, #tpu.memory_space<semaphore_mem>>, %arg10: memref<!tpu.dma_semaphore, #tpu.memory_space<semaphore_mem>>, %arg11: memref<!tpu.dma_semaphore, #tpu.memory_space<semaphore_mem>>, %arg12: memref<!tpu.dma_semaphore, #tpu.memory_space<semaphore_mem>>) attributes {dimension_semantics = [#tpu.dimension_semantics<core_parallel>, #tpu.dimension_semantics<subcore_parallel>], iteration_bounds = array<i64: 2, 16>, scalar_prefetch = 0 : i64, scratch_operands = 8 : i64, tpu.core_type = #tpu.core_type<sc_vector_subcore>, window_params = [{transform_indices = #map}, {transform_indices = #map1}, {transform_indices = #map1}]} {
    %mul3A = arith.constant 2 : i32
    %mul3A_0 = arith.muli %arg1, %mul3A : i32
    %add3A = arith.addi %mul3A_0, %arg0 : i32
    %mul3A_1 = arith.constant 25600 : i32
    %mul3A_2 = arith.muli %add3A, %mul3A_1 : i32
    "tpu.region"() ({
      %run_scoped3A = tpu.sem_alloc : memref<!tpu.dma_semaphore, #tpu.memory_space<semaphore_mem>>
      %dma_start3A_213 = tpu.memref_slice %arg2[%mul3A_2] : memref<819200xi32, #tpu.memory_space<hbm>> -> memref<25600xi32, #tpu.memory_space<hbm>>
      %dma_start3A_214 = tpu.memref_slice %arg2[%mul3A_2] : memref<819200xi32, #tpu.memory_space<hbm>> -> memref<25600xi32, #tpu.memory_space<hbm>>
      tpu.enqueue_dma source(%dma_start3A_214 : memref<25600xi32, #tpu.memory_space<hbm>>) target(%arg5 : memref<25600xi32, #tpu.memory_space<vmem>>) target_semaphore(%run_scoped3A : memref<!tpu.dma_semaphore, #tpu.memory_space<semaphore_mem>>)
      %dma_wait3A_215 = tpu.memref_slice %arg2[%mul3A_2] : memref<819200xi32, #tpu.memory_space<hbm>> -> memref<25600xi32, #tpu.memory_space<hbm>>
      %dma_wait3A_216 = tpu.memref_slice %arg2[%mul3A_2] : memref<819200xi32, #tpu.memory_space<hbm>> -> memref<25600xi32, #tpu.memory_space<hbm>>
      tpu.wait_dma2 semaphore(%run_scoped3A : memref<!tpu.dma_semaphore, #tpu.memory_space<semaphore_mem>>) src(%dma_wait3A_216 : memref<25600xi32, #tpu.memory_space<hbm>>) dst(%arg5 : memref<25600xi32, #tpu.memory_space<vmem>>)
      tpu.yield
    }) : () -> ()
    %scan3A = arith.constant 0 : i32
    %scan3A_3 = arith.constant 0 : i32
    %scan3A_4 = arith.constant 1600 : i32
    %scan3A_5 = arith.addi %scan3A_3, %scan3A_4 : i32
    %scan3A_6 = arith.constant 1 : i32
    scf.for %scan3A_213 = %scan3A_3 to %scan3A_5 step %scan3A_6  : i32 {
      %mul3A_214 = arith.constant 16 : i32
      %mul3A_215 = arith.muli %scan3A_213, %mul3A_214 : i32
      %get3A = arith.index_cast %mul3A_215 : i32 to index
      %get3A_216 = tpu.vector_load %arg5[%get3A] {strides = array<i32>} : memref<25600xi32, #tpu.memory_space<vmem>>, vector<16xi32>,
      %get3A_217 = vector.shape_cast %get3A_216 : vector<16xi32> to vector<16xi32>
      %and3A = arith.constant 1023 : i32
      %and3A_218 = vector.broadcast %and3A : i32 to vector<16xi32>
      %and3A_219 = arith.andi %get3A_217, %and3A_218 : vector<16xi32>
      %shift_right_logical3A = arith.constant 10 : i32
      %shift_right_logical3A_220 = vector.broadcast %shift_right_logical3A : i32 to vector<16xi32>
      %shift_right_logical3A_221 = arith.shrui %get3A_217, %shift_right_logical3A_220 : vector<16xi32>
      %shift_left3A = arith.constant 8 : i32
      %shift_left3A_222 = vector.broadcast %shift_left3A : i32 to vector<16xi32>
      %shift_left3A_223 = arith.shli %shift_right_logical3A_221, %shift_left3A_222 : vector<16xi32>
      %or3A = arith.ori %shift_right_logical3A_221, %shift_left3A_223 : vector<16xi32>
      %and3A_224 = arith.constant 16711935 : i32
      %and3A_225 = vector.broadcast %and3A_224 : i32 to vector<16xi32>
      %and3A_226 = arith.andi %or3A, %and3A_225 : vector<16xi32>
      %shift_left3A_227 = arith.constant 4 : i32
      %shift_left3A_228 = vector.broadcast %shift_left3A_227 : i32 to vector<16xi32>
      %shift_left3A_229 = arith.shli %and3A_226, %shift_left3A_228 : vector<16xi32>
      %or3A_230 = arith.ori %and3A_226, %shift_left3A_229 : vector<16xi32>
      %and3A_231 = arith.constant 252645135 : i32
      %and3A_232 = vector.broadcast %and3A_231 : i32 to vector<16xi32>
      %and3A_233 = arith.andi %or3A_230, %and3A_232 : vector<16xi32>
      %shift_left3A_234 = arith.constant 2 : i32
      %shift_left3A_235 = vector.broadcast %shift_left3A_234 : i32 to vector<16xi32>
      %shift_left3A_236 = arith.shli %and3A_233, %shift_left3A_235 : vector<16xi32>
      %or3A_237 = arith.ori %and3A_233, %shift_left3A_236 : vector<16xi32>
      %and3A_238 = arith.constant 858993459 : i32
      %and3A_239 = vector.broadcast %and3A_238 : i32 to vector<16xi32>
      %and3A_240 = arith.andi %or3A_237, %and3A_239 : vector<16xi32>
      %shift_left3A_241 = arith.constant 1 : i32
      %shift_left3A_242 = vector.broadcast %shift_left3A_241 : i32 to vector<16xi32>
      %shift_left3A_243 = arith.shli %and3A_240, %shift_left3A_242 : vector<16xi32>
      %or3A_244 = arith.ori %and3A_240, %shift_left3A_243 : vector<16xi32>
      %and3A_245 = arith.constant 1431655765 : i32
      %and3A_246 = vector.broadcast %and3A_245 : i32 to vector<16xi32>
      %and3A_247 = arith.andi %or3A_244, %and3A_246 : vector<16xi32>
      %shift_left3A_248 = arith.constant 1 : i32
      %shift_left3A_249 = vector.broadcast %shift_left3A_248 : i32 to vector<16xi32>
      %shift_left3A_250 = arith.shli %and3A_247, %shift_left3A_249 : vector<16xi32>
      %shift_left3A_251 = arith.constant 8 : i32
      %shift_left3A_252 = vector.broadcast %shift_left3A_251 : i32 to vector<16xi32>
      %shift_left3A_253 = arith.shli %and3A_219, %shift_left3A_252 : vector<16xi32>
      %or3A_254 = arith.ori %and3A_219, %shift_left3A_253 : vector<16xi32>
      %and3A_255 = arith.constant 16711935 : i32
      %and3A_256 = vector.broadcast %and3A_255 : i32 to vector<16xi32>
      %and3A_257 = arith.andi %or3A_254, %and3A_256 : vector<16xi32>
      %shift_left3A_258 = arith.constant 4 : i32
      %shift_left3A_259 = vector.broadcast %shift_left3A_258 : i32 to vector<16xi32>
      %shift_left3A_260 = arith.shli %and3A_257, %shift_left3A_259 : vector<16xi32>
      %or3A_261 = arith.ori %and3A_257, %shift_left3A_260 : vector<16xi32>
      %and3A_262 = arith.constant 252645135 : i32
      %and3A_263 = vector.broadcast %and3A_262 : i32 to vector<16xi32>
      %and3A_264 = arith.andi %or3A_261, %and3A_263 : vector<16xi32>
      %shift_left3A_265 = arith.constant 2 : i32
      %shift_left3A_266 = vector.broadcast %shift_left3A_265 : i32 to vector<16xi32>
      %shift_left3A_267 = arith.shli %and3A_264, %shift_left3A_266 : vector<16xi32>
      %or3A_268 = arith.ori %and3A_264, %shift_left3A_267 : vector<16xi32>
      %and3A_269 = arith.constant 858993459 : i32
      %and3A_270 = vector.broadcast %and3A_269 : i32 to vector<16xi32>
      %and3A_271 = arith.andi %or3A_268, %and3A_270 : vector<16xi32>
      %shift_left3A_272 = arith.constant 1 : i32
      %shift_left3A_273 = vector.broadcast %shift_left3A_272 : i32 to vector<16xi32>
      %shift_left3A_274 = arith.shli %and3A_271, %shift_left3A_273 : vector<16xi32>
      %or3A_275 = arith.ori %and3A_271, %shift_left3A_274 : vector<16xi32>
      %and3A_276 = arith.constant 1431655765 : i32
      %and3A_277 = vector.broadcast %and3A_276 : i32 to vector<16xi32>
      %and3A_278 = arith.andi %or3A_275, %and3A_277 : vector<16xi32>
      %or3A_279 = arith.ori %shift_left3A_250, %and3A_278 : vector<16xi32>
      %swap3A = arith.index_cast %mul3A_215 : i32 to index
      %swap3A_280 = tpu.vector_load %arg5[%swap3A] {strides = array<i32>} : memref<25600xi32, #tpu.memory_space<vmem>>, vector<16xi32>,
      %swap3A_281 = vector.shape_cast %swap3A_280 : vector<16xi32> to vector<16xi32>
      %swap3A_282 = vector.shape_cast %or3A_279 : vector<16xi32> to vector<16xi32>
      tpu.vector_store %arg5[%swap3A], %swap3A_282 {strides = array<i32>} : memref<25600xi32, #tpu.memory_space<vmem>>, vector<16xi32>,
    }
    %scan3A_7 = arith.constant 1600 : i32
    %dma_start3A = arith.constant 0 : i32
    %dma_start3A_8 = arith.constant 0 : i32
    %dma_start3A_9 = arith.constant 0 : i32
    %dma_start3A_10 = tpu.memref_slice %arg6[%dma_start3A, %dma_start3A_8, %dma_start3A_9] : memref<3x512x64xf32, #tpu.memory_space<vmem>> -> memref<1x512x64xf32, #tpu.memory_space<vmem>>
    %dma_start3A_11 = tpu.memref_squeeze %dma_start3A_10 : memref<1x512x64xf32, #tpu.memory_space<vmem>> -> memref<512x64xf32, #tpu.memory_space<vmem>>
    %dma_start3A_12 = arith.constant 0 : i32
    %dma_start3A_13 = arith.constant 0 : i32
    %dma_start3A_14 = tpu.memref_slice %dma_start3A_11[%dma_start3A_12, %dma_start3A_13] : memref<512x64xf32, #tpu.memory_space<vmem>> -> memref<128x64xf32, #tpu.memory_space<vmem>>
    %dma_start3A_15 = arith.constant 0 : i32
    %dma_start3A_16 = tpu.memref_slice %arg5[%dma_start3A_15] : memref<25600xi32, #tpu.memory_space<vmem>> -> memref<128xi32, #tpu.memory_space<vmem>>
    %dma_start3A_17 = arith.constant 0 : i32
    %dma_start3A_18 = arith.constant 0 : i32
    %dma_start3A_19 = tpu.memref_slice %arg3[%dma_start3A_17, %dma_start3A_18] : memref<1048576x64xf32, #tpu.memory_space<hbm>> -> memref<1048576x64xf32, #tpu.memory_space<hbm>>
    tpu.enqueue_indirect_dma source(%dma_start3A_19 : memref<1048576x64xf32, #tpu.memory_space<hbm>>) target(%dma_start3A_14 : memref<128x64xf32, #tpu.memory_space<vmem>>) offsets(%dma_start3A_16 : memref<128xi32, #tpu.memory_space<vmem>>) semaphore(%arg7 : memref<!tpu.dma_semaphore, #tpu.memory_space<semaphore_mem>>)
    %dma_start3A_20 = arith.constant 0 : i32
    %dma_start3A_21 = arith.constant 0 : i32
    %dma_start3A_22 = arith.constant 0 : i32
    %dma_start3A_23 = tpu.memref_slice %arg6[%dma_start3A_20, %dma_start3A_21, %dma_start3A_22] : memref<3x512x64xf32, #tpu.memory_space<vmem>> -> memref<1x512x64xf32, #tpu.memory_space<vmem>>
    %dma_start3A_24 = tpu.memref_squeeze %dma_start3A_23 : memref<1x512x64xf32, #tpu.memory_space<vmem>> -> memref<512x64xf32, #tpu.memory_space<vmem>>
    %dma_start3A_25 = arith.constant 128 : i32
    %dma_start3A_26 = arith.constant 0 : i32
    %dma_start3A_27 = tpu.memref_slice %dma_start3A_24[%dma_start3A_25, %dma_start3A_26] : memref<512x64xf32, #tpu.memory_space<vmem>> -> memref<128x64xf32, #tpu.memory_space<vmem>>
    %dma_start3A_28 = arith.constant 128 : i32
    %dma_start3A_29 = tpu.memref_slice %arg5[%dma_start3A_28] : memref<25600xi32, #tpu.memory_space<vmem>> -> memref<128xi32, #tpu.memory_space<vmem>>
    %dma_start3A_30 = arith.constant 0 : i32
    %dma_start3A_31 = arith.constant 0 : i32
    %dma_start3A_32 = tpu.memref_slice %arg3[%dma_start3A_30, %dma_start3A_31] : memref<1048576x64xf32, #tpu.memory_space<hbm>> -> memref<1048576x64xf32, #tpu.memory_space<hbm>>
    tpu.enqueue_indirect_dma source(%dma_start3A_32 : memref<1048576x64xf32, #tpu.memory_space<hbm>>) target(%dma_start3A_27 : memref<128x64xf32, #tpu.memory_space<vmem>>) offsets(%dma_start3A_29 : memref<128xi32, #tpu.memory_space<vmem>>) semaphore(%arg7 : memref<!tpu.dma_semaphore, #tpu.memory_space<semaphore_mem>>)
    %dma_start3A_33 = arith.constant 0 : i32
    %dma_start3A_34 = arith.constant 0 : i32
    %dma_start3A_35 = arith.constant 0 : i32
    %dma_start3A_36 = tpu.memref_slice %arg6[%dma_start3A_33, %dma_start3A_34, %dma_start3A_35] : memref<3x512x64xf32, #tpu.memory_space<vmem>> -> memref<1x512x64xf32, #tpu.memory_space<vmem>>
    %dma_start3A_37 = tpu.memref_squeeze %dma_start3A_36 : memref<1x512x64xf32, #tpu.memory_space<vmem>> -> memref<512x64xf32, #tpu.memory_space<vmem>>
    %dma_start3A_38 = arith.constant 256 : i32
    %dma_start3A_39 = arith.constant 0 : i32
    %dma_start3A_40 = tpu.memref_slice %dma_start3A_37[%dma_start3A_38, %dma_start3A_39] : memref<512x64xf32, #tpu.memory_space<vmem>> -> memref<128x64xf32, #tpu.memory_space<vmem>>
    %dma_start3A_41 = arith.constant 256 : i32
    %dma_start3A_42 = tpu.memref_slice %arg5[%dma_start3A_41] : memref<25600xi32, #tpu.memory_space<vmem>> -> memref<128xi32, #tpu.memory_space<vmem>>
    %dma_start3A_43 = arith.constant 0 : i32
    %dma_start3A_44 = arith.constant 0 : i32
    %dma_start3A_45 = tpu.memref_slice %arg3[%dma_start3A_43, %dma_start3A_44] : memref<1048576x64xf32, #tpu.memory_space<hbm>> -> memref<1048576x64xf32, #tpu.memory_space<hbm>>
    tpu.enqueue_indirect_dma source(%dma_start3A_45 : memref<1048576x64xf32, #tpu.memory_space<hbm>>) target(%dma_start3A_40 : memref<128x64xf32, #tpu.memory_space<vmem>>) offsets(%dma_start3A_42 : memref<128xi32, #tpu.memory_space<vmem>>) semaphore(%arg7 : memref<!tpu.dma_semaphore, #tpu.memory_space<semaphore_mem>>)
    %dma_start3A_46 = arith.constant 0 : i32
    %dma_start3A_47 = arith.constant 0 : i32
    %dma_start3A_48 = arith.constant 0 : i32
    %dma_start3A_49 = tpu.memref_slice %arg6[%dma_start3A_46, %dma_start3A_47, %dma_start3A_48] : memref<3x512x64xf32, #tpu.memory_space<vmem>> -> memref<1x512x64xf32, #tpu.memory_space<vmem>>
    %dma_start3A_50 = tpu.memref_squeeze %dma_start3A_49 : memref<1x512x64xf32, #tpu.memory_space<vmem>> -> memref<512x64xf32, #tpu.memory_space<vmem>>
    %dma_start3A_51 = arith.constant 384 : i32
    %dma_start3A_52 = arith.constant 0 : i32
    %dma_start3A_53 = tpu.memref_slice %dma_start3A_50[%dma_start3A_51, %dma_start3A_52] : memref<512x64xf32, #tpu.memory_space<vmem>> -> memref<128x64xf32, #tpu.memory_space<vmem>>
    %dma_start3A_54 = arith.constant 384 : i32
    %dma_start3A_55 = tpu.memref_slice %arg5[%dma_start3A_54] : memref<25600xi32, #tpu.memory_space<vmem>> -> memref<128xi32, #tpu.memory_space<vmem>>
    %dma_start3A_56 = arith.constant 0 : i32
    %dma_start3A_57 = arith.constant 0 : i32
    %dma_start3A_58 = tpu.memref_slice %arg3[%dma_start3A_56, %dma_start3A_57] : memref<1048576x64xf32, #tpu.memory_space<hbm>> -> memref<1048576x64xf32, #tpu.memory_space<hbm>>
    tpu.enqueue_indirect_dma source(%dma_start3A_58 : memref<1048576x64xf32, #tpu.memory_space<hbm>>) target(%dma_start3A_53 : memref<128x64xf32, #tpu.memory_space<vmem>>) offsets(%dma_start3A_55 : memref<128xi32, #tpu.memory_space<vmem>>) semaphore(%arg7 : memref<!tpu.dma_semaphore, #tpu.memory_space<semaphore_mem>>)
    %dma_start3A_59 = arith.constant 1 : i32
    %dma_start3A_60 = arith.constant 0 : i32
    %dma_start3A_61 = arith.constant 0 : i32
    %dma_start3A_62 = tpu.memref_slice %arg6[%dma_start3A_59, %dma_start3A_60, %dma_start3A_61] : memref<3x512x64xf32, #tpu.memory_space<vmem>> -> memref<1x512x64xf32, #tpu.memory_space<vmem>>
    %dma_start3A_63 = tpu.memref_squeeze %dma_start3A_62 : memref<1x512x64xf32, #tpu.memory_space<vmem>> -> memref<512x64xf32, #tpu.memory_space<vmem>>
    %dma_start3A_64 = arith.constant 0 : i32
    %dma_start3A_65 = arith.constant 0 : i32
    %dma_start3A_66 = tpu.memref_slice %dma_start3A_63[%dma_start3A_64, %dma_start3A_65] : memref<512x64xf32, #tpu.memory_space<vmem>> -> memref<128x64xf32, #tpu.memory_space<vmem>>
    %dma_start3A_67 = arith.constant 512 : i32
    %dma_start3A_68 = tpu.memref_slice %arg5[%dma_start3A_67] : memref<25600xi32, #tpu.memory_space<vmem>> -> memref<128xi32, #tpu.memory_space<vmem>>
    %dma_start3A_69 = arith.constant 0 : i32
    %dma_start3A_70 = arith.constant 0 : i32
    %dma_start3A_71 = tpu.memref_slice %arg3[%dma_start3A_69, %dma_start3A_70] : memref<1048576x64xf32, #tpu.memory_space<hbm>> -> memref<1048576x64xf32, #tpu.memory_space<hbm>>
    tpu.enqueue_indirect_dma source(%dma_start3A_71 : memref<1048576x64xf32, #tpu.memory_space<hbm>>) target(%dma_start3A_66 : memref<128x64xf32, #tpu.memory_space<vmem>>) offsets(%dma_start3A_68 : memref<128xi32, #tpu.memory_space<vmem>>) semaphore(%arg8 : memref<!tpu.dma_semaphore, #tpu.memory_space<semaphore_mem>>)
    %dma_start3A_72 = arith.constant 1 : i32
    %dma_start3A_73 = arith.constant 0 : i32
    %dma_start3A_74 = arith.constant 0 : i32
    %dma_start3A_75 = tpu.memref_slice %arg6[%dma_start3A_72, %dma_start3A_73, %dma_start3A_74] : memref<3x512x64xf32, #tpu.memory_space<vmem>> -> memref<1x512x64xf32, #tpu.memory_space<vmem>>
    %dma_start3A_76 = tpu.memref_squeeze %dma_start3A_75 : memref<1x512x64xf32, #tpu.memory_space<vmem>> -> memref<512x64xf32, #tpu.memory_space<vmem>>
    %dma_start3A_77 = arith.constant 128 : i32
    %dma_start3A_78 = arith.constant 0 : i32
    %dma_start3A_79 = tpu.memref_slice %dma_start3A_76[%dma_start3A_77, %dma_start3A_78] : memref<512x64xf32, #tpu.memory_space<vmem>> -> memref<128x64xf32, #tpu.memory_space<vmem>>
    %dma_start3A_80 = arith.constant 640 : i32
    %dma_start3A_81 = tpu.memref_slice %arg5[%dma_start3A_80] : memref<25600xi32, #tpu.memory_space<vmem>> -> memref<128xi32, #tpu.memory_space<vmem>>
    %dma_start3A_82 = arith.constant 0 : i32
    %dma_start3A_83 = arith.constant 0 : i32
    %dma_start3A_84 = tpu.memref_slice %arg3[%dma_start3A_82, %dma_start3A_83] : memref<1048576x64xf32, #tpu.memory_space<hbm>> -> memref<1048576x64xf32, #tpu.memory_space<hbm>>
    tpu.enqueue_indirect_dma source(%dma_start3A_84 : memref<1048576x64xf32, #tpu.memory_space<hbm>>) target(%dma_start3A_79 : memref<128x64xf32, #tpu.memory_space<vmem>>) offsets(%dma_start3A_81 : memref<128xi32, #tpu.memory_space<vmem>>) semaphore(%arg8 : memref<!tpu.dma_semaphore, #tpu.memory_space<semaphore_mem>>)
    %dma_start3A_85 = arith.constant 1 : i32
    %dma_start3A_86 = arith.constant 0 : i32
    %dma_start3A_87 = arith.constant 0 : i32
    %dma_start3A_88 = tpu.memref_slice %arg6[%dma_start3A_85, %dma_start3A_86, %dma_start3A_87] : memref<3x512x64xf32, #tpu.memory_space<vmem>> -> memref<1x512x64xf32, #tpu.memory_space<vmem>>
    %dma_start3A_89 = tpu.memref_squeeze %dma_start3A_88 : memref<1x512x64xf32, #tpu.memory_space<vmem>> -> memref<512x64xf32, #tpu.memory_space<vmem>>
    %dma_start3A_90 = arith.constant 256 : i32
    %dma_start3A_91 = arith.constant 0 : i32
    %dma_start3A_92 = tpu.memref_slice %dma_start3A_89[%dma_start3A_90, %dma_start3A_91] : memref<512x64xf32, #tpu.memory_space<vmem>> -> memref<128x64xf32, #tpu.memory_space<vmem>>
    %dma_start3A_93 = arith.constant 768 : i32
    %dma_start3A_94 = tpu.memref_slice %arg5[%dma_start3A_93] : memref<25600xi32, #tpu.memory_space<vmem>> -> memref<128xi32, #tpu.memory_space<vmem>>
    %dma_start3A_95 = arith.constant 0 : i32
    %dma_start3A_96 = arith.constant 0 : i32
    %dma_start3A_97 = tpu.memref_slice %arg3[%dma_start3A_95, %dma_start3A_96] : memref<1048576x64xf32, #tpu.memory_space<hbm>> -> memref<1048576x64xf32, #tpu.memory_space<hbm>>
    tpu.enqueue_indirect_dma source(%dma_start3A_97 : memref<1048576x64xf32, #tpu.memory_space<hbm>>) target(%dma_start3A_92 : memref<128x64xf32, #tpu.memory_space<vmem>>) offsets(%dma_start3A_94 : memref<128xi32, #tpu.memory_space<vmem>>) semaphore(%arg8 : memref<!tpu.dma_semaphore, #tpu.memory_space<semaphore_mem>>)
    %dma_start3A_98 = arith.constant 1 : i32
    %dma_start3A_99 = arith.constant 0 : i32
    %dma_start3A_100 = arith.constant 0 : i32
    %dma_start3A_101 = tpu.memref_slice %arg6[%dma_start3A_98, %dma_start3A_99, %dma_start3A_100] : memref<3x512x64xf32, #tpu.memory_space<vmem>> -> memref<1x512x64xf32, #tpu.memory_space<vmem>>
    %dma_start3A_102 = tpu.memref_squeeze %dma_start3A_101 : memref<1x512x64xf32, #tpu.memory_space<vmem>> -> memref<512x64xf32, #tpu.memory_space<vmem>>
    %dma_start3A_103 = arith.constant 384 : i32
    %dma_start3A_104 = arith.constant 0 : i32
    %dma_start3A_105 = tpu.memref_slice %dma_start3A_102[%dma_start3A_103, %dma_start3A_104] : memref<512x64xf32, #tpu.memory_space<vmem>> -> memref<128x64xf32, #tpu.memory_space<vmem>>
    %dma_start3A_106 = arith.constant 896 : i32
    %dma_start3A_107 = tpu.memref_slice %arg5[%dma_start3A_106] : memref<25600xi32, #tpu.memory_space<vmem>> -> memref<128xi32, #tpu.memory_space<vmem>>
    %dma_start3A_108 = arith.constant 0 : i32
    %dma_start3A_109 = arith.constant 0 : i32
    %dma_start3A_110 = tpu.memref_slice %arg3[%dma_start3A_108, %dma_start3A_109] : memref<1048576x64xf32, #tpu.memory_space<hbm>> -> memref<1048576x64xf32, #tpu.memory_space<hbm>>
    tpu.enqueue_indirect_dma source(%dma_start3A_110 : memref<1048576x64xf32, #tpu.memory_space<hbm>>) target(%dma_start3A_105 : memref<128x64xf32, #tpu.memory_space<vmem>>) offsets(%dma_start3A_107 : memref<128xi32, #tpu.memory_space<vmem>>) semaphore(%arg8 : memref<!tpu.dma_semaphore, #tpu.memory_space<semaphore_mem>>)
    %dma_start3A_111 = arith.constant 2 : i32
    %dma_start3A_112 = arith.constant 0 : i32
    %dma_start3A_113 = arith.constant 0 : i32
    %dma_start3A_114 = tpu.memref_slice %arg6[%dma_start3A_111, %dma_start3A_112, %dma_start3A_113] : memref<3x512x64xf32, #tpu.memory_space<vmem>> -> memref<1x512x64xf32, #tpu.memory_space<vmem>>
    %dma_start3A_115 = tpu.memref_squeeze %dma_start3A_114 : memref<1x512x64xf32, #tpu.memory_space<vmem>> -> memref<512x64xf32, #tpu.memory_space<vmem>>
    %dma_start3A_116 = arith.constant 0 : i32
    %dma_start3A_117 = arith.constant 0 : i32
    %dma_start3A_118 = tpu.memref_slice %dma_start3A_115[%dma_start3A_116, %dma_start3A_117] : memref<512x64xf32, #tpu.memory_space<vmem>> -> memref<128x64xf32, #tpu.memory_space<vmem>>
    %dma_start3A_119 = arith.constant 1024 : i32
    %dma_start3A_120 = tpu.memref_slice %arg5[%dma_start3A_119] : memref<25600xi32, #tpu.memory_space<vmem>> -> memref<128xi32, #tpu.memory_space<vmem>>
    %dma_start3A_121 = arith.constant 0 : i32
    %dma_start3A_122 = arith.constant 0 : i32
    %dma_start3A_123 = tpu.memref_slice %arg3[%dma_start3A_121, %dma_start3A_122] : memref<1048576x64xf32, #tpu.memory_space<hbm>> -> memref<1048576x64xf32, #tpu.memory_space<hbm>>
    tpu.enqueue_indirect_dma source(%dma_start3A_123 : memref<1048576x64xf32, #tpu.memory_space<hbm>>) target(%dma_start3A_118 : memref<128x64xf32, #tpu.memory_space<vmem>>) offsets(%dma_start3A_120 : memref<128xi32, #tpu.memory_space<vmem>>) semaphore(%arg9 : memref<!tpu.dma_semaphore, #tpu.memory_space<semaphore_mem>>)
    %dma_start3A_124 = arith.constant 2 : i32
    %dma_start3A_125 = arith.constant 0 : i32
    %dma_start3A_126 = arith.constant 0 : i32
    %dma_start3A_127 = tpu.memref_slice %arg6[%dma_start3A_124, %dma_start3A_125, %dma_start3A_126] : memref<3x512x64xf32, #tpu.memory_space<vmem>> -> memref<1x512x64xf32, #tpu.memory_space<vmem>>
    %dma_start3A_128 = tpu.memref_squeeze %dma_start3A_127 : memref<1x512x64xf32, #tpu.memory_space<vmem>> -> memref<512x64xf32, #tpu.memory_space<vmem>>
    %dma_start3A_129 = arith.constant 128 : i32
    %dma_start3A_130 = arith.constant 0 : i32
    %dma_start3A_131 = tpu.memref_slice %dma_start3A_128[%dma_start3A_129, %dma_start3A_130] : memref<512x64xf32, #tpu.memory_space<vmem>> -> memref<128x64xf32, #tpu.memory_space<vmem>>
    %dma_start3A_132 = arith.constant 1152 : i32
    %dma_start3A_133 = tpu.memref_slice %arg5[%dma_start3A_132] : memref<25600xi32, #tpu.memory_space<vmem>> -> memref<128xi32, #tpu.memory_space<vmem>>
    %dma_start3A_134 = arith.constant 0 : i32
    %dma_start3A_135 = arith.constant 0 : i32
    %dma_start3A_136 = tpu.memref_slice %arg3[%dma_start3A_134, %dma_start3A_135] : memref<1048576x64xf32, #tpu.memory_space<hbm>> -> memref<1048576x64xf32, #tpu.memory_space<hbm>>
    tpu.enqueue_indirect_dma source(%dma_start3A_136 : memref<1048576x64xf32, #tpu.memory_space<hbm>>) target(%dma_start3A_131 : memref<128x64xf32, #tpu.memory_space<vmem>>) offsets(%dma_start3A_133 : memref<128xi32, #tpu.memory_space<vmem>>) semaphore(%arg9 : memref<!tpu.dma_semaphore, #tpu.memory_space<semaphore_mem>>)
    %dma_start3A_137 = arith.constant 2 : i32
    %dma_start3A_138 = arith.constant 0 : i32
    %dma_start3A_139 = arith.constant 0 : i32
    %dma_start3A_140 = tpu.memref_slice %arg6[%dma_start3A_137, %dma_start3A_138, %dma_start3A_139] : memref<3x512x64xf32, #tpu.memory_space<vmem>> -> memref<1x512x64xf32, #tpu.memory_space<vmem>>
    %dma_start3A_141 = tpu.memref_squeeze %dma_start3A_140 : memref<1x512x64xf32, #tpu.memory_space<vmem>> -> memref<512x64xf32, #tpu.memory_space<vmem>>
    %dma_start3A_142 = arith.constant 256 : i32
    %dma_start3A_143 = arith.constant 0 : i32
    %dma_start3A_144 = tpu.memref_slice %dma_start3A_141[%dma_start3A_142, %dma_start3A_143] : memref<512x64xf32, #tpu.memory_space<vmem>> -> memref<128x64xf32, #tpu.memory_space<vmem>>
    %dma_start3A_145 = arith.constant 1280 : i32
    %dma_start3A_146 = tpu.memref_slice %arg5[%dma_start3A_145] : memref<25600xi32, #tpu.memory_space<vmem>> -> memref<128xi32, #tpu.memory_space<vmem>>
    %dma_start3A_147 = arith.constant 0 : i32
    %dma_start3A_148 = arith.constant 0 : i32
    %dma_start3A_149 = tpu.memref_slice %arg3[%dma_start3A_147, %dma_start3A_148] : memref<1048576x64xf32, #tpu.memory_space<hbm>> -> memref<1048576x64xf32, #tpu.memory_space<hbm>>
    tpu.enqueue_indirect_dma source(%dma_start3A_149 : memref<1048576x64xf32, #tpu.memory_space<hbm>>) target(%dma_start3A_144 : memref<128x64xf32, #tpu.memory_space<vmem>>) offsets(%dma_start3A_146 : memref<128xi32, #tpu.memory_space<vmem>>) semaphore(%arg9 : memref<!tpu.dma_semaphore, #tpu.memory_space<semaphore_mem>>)
    %dma_start3A_150 = arith.constant 2 : i32
    %dma_start3A_151 = arith.constant 0 : i32
    %dma_start3A_152 = arith.constant 0 : i32
    %dma_start3A_153 = tpu.memref_slice %arg6[%dma_start3A_150, %dma_start3A_151, %dma_start3A_152] : memref<3x512x64xf32, #tpu.memory_space<vmem>> -> memref<1x512x64xf32, #tpu.memory_space<vmem>>
    %dma_start3A_154 = tpu.memref_squeeze %dma_start3A_153 : memref<1x512x64xf32, #tpu.memory_space<vmem>> -> memref<512x64xf32, #tpu.memory_space<vmem>>
    %dma_start3A_155 = arith.constant 384 : i32
    %dma_start3A_156 = arith.constant 0 : i32
    %dma_start3A_157 = tpu.memref_slice %dma_start3A_154[%dma_start3A_155, %dma_start3A_156] : memref<512x64xf32, #tpu.memory_space<vmem>> -> memref<128x64xf32, #tpu.memory_space<vmem>>
    %dma_start3A_158 = arith.constant 1408 : i32
    %dma_start3A_159 = tpu.memref_slice %arg5[%dma_start3A_158] : memref<25600xi32, #tpu.memory_space<vmem>> -> memref<128xi32, #tpu.memory_space<vmem>>
    %dma_start3A_160 = arith.constant 0 : i32
    %dma_start3A_161 = arith.constant 0 : i32
    %dma_start3A_162 = tpu.memref_slice %arg3[%dma_start3A_160, %dma_start3A_161] : memref<1048576x64xf32, #tpu.memory_space<hbm>> -> memref<1048576x64xf32, #tpu.memory_space<hbm>>
    tpu.enqueue_indirect_dma source(%dma_start3A_162 : memref<1048576x64xf32, #tpu.memory_space<hbm>>) target(%dma_start3A_157 : memref<128x64xf32, #tpu.memory_space<vmem>>) offsets(%dma_start3A_159 : memref<128xi32, #tpu.memory_space<vmem>>) semaphore(%arg9 : memref<!tpu.dma_semaphore, #tpu.memory_space<semaphore_mem>>)
    %scan3A_163 = arith.constant 0 : i32
    %scan3A_164 = arith.constant 0 : i32
    %scan3A_165 = arith.constant 50 : i32
    %scan3A_166 = arith.addi %scan3A_164, %scan3A_165 : i32
    %scan3A_167 = arith.constant 1 : i32
    scf.for %scan3A_213 = %scan3A_164 to %scan3A_166 step %scan3A_167  : i32 {
      %gt3A = arith.constant 0 : i32
      %gt3A_214 = arith.cmpi sgt, %scan3A_213, %gt3A : i32
      %add3A_215 = arith.constant 3 : i32
      %add3A_216 = arith.addi %scan3A_213, %add3A_215 : i32
      %sub3A = arith.constant 1 : i32
      %sub3A_217 = arith.subi %add3A_216, %sub3A : i32
      %lt3A = arith.constant 50 : i32
      %lt3A_218 = arith.cmpi slt, %sub3A_217, %lt3A : i32
      %and3A = arith.andi %gt3A_214, %lt3A_218 : i1
      %convert_element_type3A = arith.extui %and3A : i1 to i32
      %cond3A = arith.constant 0 : i32
      %cond3A_219 = arith.cmpi ne, %convert_element_type3A, %cond3A : i32
      scf.if %cond3A_219 {
        %sub3A_278 = arith.constant 1 : i32
        %sub3A_279 = arith.subi %scan3A_213, %sub3A_278 : i32
        %jit3A_280 = arith.constant 3 : i32
        %eq3A_281 = arith.constant 0 : i32
        %eq3A_282 = arith.cmpi eq, %jit3A_280, %eq3A_281 : i32
        %jit3A_283 = arith.constant 1 : i32
        %select_n3A_284 = arith.select %eq3A_282, %jit3A_283, %jit3A_280 : i32
        %rem3A_285 = arith.remsi %sub3A_279, %select_n3A_284 : i32
        %ne3A_286 = arith.constant 0 : i32
        %ne3A_287 = arith.cmpi ne, %rem3A_285, %ne3A_286 : i32
        %lt3A_288 = arith.constant 0 : i32
        %lt3A_289 = arith.cmpi slt, %rem3A_285, %lt3A_288 : i32
        %lt3A_290 = arith.constant 0 : i32
        %lt3A_291 = arith.cmpi slt, %select_n3A_284, %lt3A_290 : i32
        %ne3A_292 = arith.xori %lt3A_289, %lt3A_291 : i1
        %and3A_293 = arith.andi %ne3A_292, %ne3A_287 : i1
        %add3A_294 = arith.addi %rem3A_285, %select_n3A_284 : i32
        %select_n3A_295 = arith.select %and3A_293, %add3A_294, %rem3A_285 : i32
        %eq3A_296 = arith.constant 0 : i32
        %eq3A_297 = arith.cmpi eq, %select_n3A_295, %eq3A_296 : i32
        %convert_element_type3A_298 = arith.extui %eq3A_297 : i1 to i32
        %cond3A_299 = arith.constant 0 : i32
        %cond3A_300 = arith.cmpi ne, %convert_element_type3A_298, %cond3A_299 : i32
        scf.if %cond3A_300 {
          %sub3A_347 = arith.constant 1 : i32
          %sub3A_348 = arith.subi %scan3A_213, %sub3A_347 : i32
          %mul3A_349 = arith.constant 512 : i32
          %mul3A_350 = arith.muli %sub3A_348, %mul3A_349 : i32
          %add3A_351 = arith.addi %mul3A_2, %mul3A_350 : i32
          %dma_wait3A_352 = arith.constant 0 : i32
          %dma_wait3A_353 = arith.constant 0 : i32
          %dma_wait3A_354 = arith.constant 0 : i32
          %dma_wait3A_355 = tpu.memref_slice %arg6[%dma_wait3A_352, %dma_wait3A_353, %dma_wait3A_354] : memref<3x512x64xf32, #tpu.memory_space<vmem>> -> memref<1x512x64xf32, #tpu.memory_space<vmem>>
          %dma_wait3A_356 = tpu.memref_squeeze %dma_wait3A_355 : memref<1x512x64xf32, #tpu.memory_space<vmem>> -> memref<512x64xf32, #tpu.memory_space<vmem>>
          %dma_wait3A_357 = arith.constant 0 : i32
          %dma_wait3A_358 = tpu.memref_slice %arg4[%add3A_351, %dma_wait3A_357] : memref<819200x64xf32, #tpu.memory_space<hbm>> -> memref<512x64xf32, #tpu.memory_space<hbm>>
          %dma_wait3A_359 = arith.constant 0 : i32
          %dma_wait3A_360 = tpu.memref_slice %arg4[%add3A_351, %dma_wait3A_359] : memref<819200x64xf32, #tpu.memory_space<hbm>> -> memref<512x64xf32, #tpu.memory_space<hbm>>
          %dma_wait3A_361 = arith.constant 0 : i32
          %dma_wait3A_362 = arith.constant 0 : i32
          %dma_wait3A_363 = tpu.memref_slice %arg6[%dma_wait3A_352, %dma_wait3A_361, %dma_wait3A_362] : memref<3x512x64xf32, #tpu.memory_space<vmem>> -> memref<1x512x64xf32, #tpu.memory_space<vmem>>
          %dma_wait3A_364 = tpu.memref_squeeze %dma_wait3A_363 : memref<1x512x64xf32, #tpu.memory_space<vmem>> -> memref<512x64xf32, #tpu.memory_space<vmem>>
          tpu.wait_dma2 semaphore(%arg10 : memref<!tpu.dma_semaphore, #tpu.memory_space<semaphore_mem>>) src(%dma_wait3A_364 : memref<512x64xf32, #tpu.memory_space<vmem>>) dst(%dma_wait3A_360 : memref<512x64xf32, #tpu.memory_space<hbm>>)
          %add3A_365 = arith.constant 3 : i32
          %add3A_366 = arith.addi %scan3A_213, %add3A_365 : i32
          %sub3A_367 = arith.constant 1 : i32
          %sub3A_368 = arith.subi %add3A_366, %sub3A_367 : i32
          %mul3A_369 = arith.constant 512 : i32
          %mul3A_370 = arith.muli %sub3A_368, %mul3A_369 : i32
          %add3A_371 = arith.constant 0 : i32
          %add3A_372 = arith.addi %mul3A_370, %add3A_371 : i32
          %dma_start3A_373 = arith.constant 0 : i32
          %dma_start3A_374 = arith.constant 0 : i32
          %dma_start3A_375 = arith.constant 0 : i32
          %dma_start3A_376 = tpu.memref_slice %arg6[%dma_start3A_373, %dma_start3A_374, %dma_start3A_375] : memref<3x512x64xf32, #tpu.memory_space<vmem>> -> memref<1x512x64xf32, #tpu.memory_space<vmem>>
          %dma_start3A_377 = tpu.memref_squeeze %dma_start3A_376 : memref<1x512x64xf32, #tpu.memory_space<vmem>> -> memref<512x64xf32, #tpu.memory_space<vmem>>
          %dma_start3A_378 = arith.constant 0 : i32
          %dma_start3A_379 = arith.constant 0 : i32
          %dma_start3A_380 = tpu.memref_slice %dma_start3A_377[%dma_start3A_378, %dma_start3A_379] : memref<512x64xf32, #tpu.memory_space<vmem>> -> memref<128x64xf32, #tpu.memory_space<vmem>>
          %dma_start3A_381 = tpu.memref_slice %arg5[%add3A_372] : memref<25600xi32, #tpu.memory_space<vmem>> -> memref<128xi32, #tpu.memory_space<vmem>>
          %dma_start3A_382 = arith.constant 0 : i32
          %dma_start3A_383 = arith.constant 0 : i32
          %dma_start3A_384 = tpu.memref_slice %arg3[%dma_start3A_382, %dma_start3A_383] : memref<1048576x64xf32, #tpu.memory_space<hbm>> -> memref<1048576x64xf32, #tpu.memory_space<hbm>>
          tpu.enqueue_indirect_dma source(%dma_start3A_384 : memref<1048576x64xf32, #tpu.memory_space<hbm>>) target(%dma_start3A_380 : memref<128x64xf32, #tpu.memory_space<vmem>>) offsets(%dma_start3A_381 : memref<128xi32, #tpu.memory_space<vmem>>) semaphore(%arg7 : memref<!tpu.dma_semaphore, #tpu.memory_space<semaphore_mem>>)
          %mul3A_385 = arith.constant 512 : i32
          %mul3A_386 = arith.muli %sub3A_368, %mul3A_385 : i32
          %add3A_387 = arith.constant 128 : i32
          %add3A_388 = arith.addi %mul3A_386, %add3A_387 : i32
          %dma_start3A_389 = arith.constant 0 : i32
          %dma_start3A_390 = arith.constant 0 : i32
          %dma_start3A_391 = arith.constant 0 : i32
          %dma_start3A_392 = tpu.memref_slice %arg6[%dma_start3A_389, %dma_start3A_390, %dma_start3A_391] : memref<3x512x64xf32, #tpu.memory_space<vmem>> -> memref<1x512x64xf32, #tpu.memory_space<vmem>>
          %dma_start3A_393 = tpu.memref_squeeze %dma_start3A_392 : memref<1x512x64xf32, #tpu.memory_space<vmem>> -> memref<512x64xf32, #tpu.memory_space<vmem>>
          %dma_start3A_394 = arith.constant 128 : i32
          %dma_start3A_395 = arith.constant 0 : i32
          %dma_start3A_396 = tpu.memref_slice %dma_start3A_393[%dma_start3A_394, %dma_start3A_395] : memref<512x64xf32, #tpu.memory_space<vmem>> -> memref<128x64xf32, #tpu.memory_space<vmem>>
          %dma_start3A_397 = tpu.memref_slice %arg5[%add3A_388] : memref<25600xi32, #tpu.memory_space<vmem>> -> memref<128xi32, #tpu.memory_space<vmem>>
          %dma_start3A_398 = arith.constant 0 : i32
          %dma_start3A_399 = arith.constant 0 : i32
          %dma_start3A_400 = tpu.memref_slice %arg3[%dma_start3A_398, %dma_start3A_399] : memref<1048576x64xf32, #tpu.memory_space<hbm>> -> memref<1048576x64xf32, #tpu.memory_space<hbm>>
          tpu.enqueue_indirect_dma source(%dma_start3A_400 : memref<1048576x64xf32, #tpu.memory_space<hbm>>) target(%dma_start3A_396 : memref<128x64xf32, #tpu.memory_space<vmem>>) offsets(%dma_start3A_397 : memref<128xi32, #tpu.memory_space<vmem>>) semaphore(%arg7 : memref<!tpu.dma_semaphore, #tpu.memory_space<semaphore_mem>>)
          %mul3A_401 = arith.constant 512 : i32
          %mul3A_402 = arith.muli %sub3A_368, %mul3A_401 : i32
          %add3A_403 = arith.constant 256 : i32
          %add3A_404 = arith.addi %mul3A_402, %add3A_403 : i32
          %dma_start3A_405 = arith.constant 0 : i32
          %dma_start3A_406 = arith.constant 0 : i32
          %dma_start3A_407 = arith.constant 0 : i32
          %dma_start3A_408 = tpu.memref_slice %arg6[%dma_start3A_405, %dma_start3A_406, %dma_start3A_407] : memref<3x512x64xf32, #tpu.memory_space<vmem>> -> memref<1x512x64xf32, #tpu.memory_space<vmem>>
          %dma_start3A_409 = tpu.memref_squeeze %dma_start3A_408 : memref<1x512x64xf32, #tpu.memory_space<vmem>> -> memref<512x64xf32, #tpu.memory_space<vmem>>
          %dma_start3A_410 = arith.constant 256 : i32
          %dma_start3A_411 = arith.constant 0 : i32
          %dma_start3A_412 = tpu.memref_slice %dma_start3A_409[%dma_start3A_410, %dma_start3A_411] : memref<512x64xf32, #tpu.memory_space<vmem>> -> memref<128x64xf32, #tpu.memory_space<vmem>>
          %dma_start3A_413 = tpu.memref_slice %arg5[%add3A_404] : memref<25600xi32, #tpu.memory_space<vmem>> -> memref<128xi32, #tpu.memory_space<vmem>>
          %dma_start3A_414 = arith.constant 0 : i32
          %dma_start3A_415 = arith.constant 0 : i32
          %dma_start3A_416 = tpu.memref_slice %arg3[%dma_start3A_414, %dma_start3A_415] : memref<1048576x64xf32, #tpu.memory_space<hbm>> -> memref<1048576x64xf32, #tpu.memory_space<hbm>>
          tpu.enqueue_indirect_dma source(%dma_start3A_416 : memref<1048576x64xf32, #tpu.memory_space<hbm>>) target(%dma_start3A_412 : memref<128x64xf32, #tpu.memory_space<vmem>>) offsets(%dma_start3A_413 : memref<128xi32, #tpu.memory_space<vmem>>) semaphore(%arg7 : memref<!tpu.dma_semaphore, #tpu.memory_space<semaphore_mem>>)
          %mul3A_417 = arith.constant 512 : i32
          %mul3A_418 = arith.muli %sub3A_368, %mul3A_417 : i32
          %add3A_419 = arith.constant 384 : i32
          %add3A_420 = arith.addi %mul3A_418, %add3A_419 : i32
          %dma_start3A_421 = arith.constant 0 : i32
          %dma_start3A_422 = arith.constant 0 : i32
          %dma_start3A_423 = arith.constant 0 : i32
          %dma_start3A_424 = tpu.memref_slice %arg6[%dma_start3A_421, %dma_start3A_422, %dma_start3A_423] : memref<3x512x64xf32, #tpu.memory_space<vmem>> -> memref<1x512x64xf32, #tpu.memory_space<vmem>>
          %dma_start3A_425 = tpu.memref_squeeze %dma_start3A_424 : memref<1x512x64xf32, #tpu.memory_space<vmem>> -> memref<512x64xf32, #tpu.memory_space<vmem>>
          %dma_start3A_426 = arith.constant 384 : i32
          %dma_start3A_427 = arith.constant 0 : i32
          %dma_start3A_428 = tpu.memref_slice %dma_start3A_425[%dma_start3A_426, %dma_start3A_427] : memref<512x64xf32, #tpu.memory_space<vmem>> -> memref<128x64xf32, #tpu.memory_space<vmem>>
          %dma_start3A_429 = tpu.memref_slice %arg5[%add3A_420] : memref<25600xi32, #tpu.memory_space<vmem>> -> memref<128xi32, #tpu.memory_space<vmem>>
          %dma_start3A_430 = arith.constant 0 : i32
          %dma_start3A_431 = arith.constant 0 : i32
          %dma_start3A_432 = tpu.memref_slice %arg3[%dma_start3A_430, %dma_start3A_431] : memref<1048576x64xf32, #tpu.memory_space<hbm>> -> memref<1048576x64xf32, #tpu.memory_space<hbm>>
          tpu.enqueue_indirect_dma source(%dma_start3A_432 : memref<1048576x64xf32, #tpu.memory_space<hbm>>) target(%dma_start3A_428 : memref<128x64xf32, #tpu.memory_space<vmem>>) offsets(%dma_start3A_429 : memref<128xi32, #tpu.memory_space<vmem>>) semaphore(%arg7 : memref<!tpu.dma_semaphore, #tpu.memory_space<semaphore_mem>>)
        } else {
        }
        %sub3A_301 = arith.constant 1 : i32
        %sub3A_302 = arith.subi %scan3A_213, %sub3A_301 : i32
        %jit3A_303 = arith.constant 3 : i32
        %eq3A_304 = arith.constant 0 : i32
        %eq3A_305 = arith.cmpi eq, %jit3A_303, %eq3A_304 : i32
        %jit3A_306 = arith.constant 1 : i32
        %select_n3A_307 = arith.select %eq3A_305, %jit3A_306, %jit3A_303 : i32
        %rem3A_308 = arith.remsi %sub3A_302, %select_n3A_307 : i32
        %ne3A_309 = arith.constant 0 : i32
        %ne3A_310 = arith.cmpi ne, %rem3A_308, %ne3A_309 : i32
        %lt3A_311 = arith.constant 0 : i32
        %lt3A_312 = arith.cmpi slt, %rem3A_308, %lt3A_311 : i32
        %lt3A_313 = arith.constant 0 : i32
        %lt3A_314 = arith.cmpi slt, %select_n3A_307, %lt3A_313 : i32
        %ne3A_315 = arith.xori %lt3A_312, %lt3A_314 : i1
        %and3A_316 = arith.andi %ne3A_315, %ne3A_310 : i1
        %add3A_317 = arith.addi %rem3A_308, %select_n3A_307 : i32
        %select_n3A_318 = arith.select %and3A_316, %add3A_317, %rem3A_308 : i32
        %eq3A_319 = arith.constant 1 : i32
        %eq3A_320 = arith.cmpi eq, %select_n3A_318, %eq3A_319 : i32
        %convert_element_type3A_321 = arith.extui %eq3A_320 : i1 to i32
        %cond3A_322 = arith.constant 0 : i32
        %cond3A_323 = arith.cmpi ne, %convert_element_type3A_321, %cond3A_322 : i32
        scf.if %cond3A_323 {
          %sub3A_347 = arith.constant 1 : i32
          %sub3A_348 = arith.subi %scan3A_213, %sub3A_347 : i32
          %mul3A_349 = arith.constant 512 : i32
          %mul3A_350 = arith.muli %sub3A_348, %mul3A_349 : i32
          %add3A_351 = arith.addi %mul3A_2, %mul3A_350 : i32
          %dma_wait3A_352 = arith.constant 1 : i32
          %dma_wait3A_353 = arith.constant 0 : i32
          %dma_wait3A_354 = arith.constant 0 : i32
          %dma_wait3A_355 = tpu.memref_slice %arg6[%dma_wait3A_352, %dma_wait3A_353, %dma_wait3A_354] : memref<3x512x64xf32, #tpu.memory_space<vmem>> -> memref<1x512x64xf32, #tpu.memory_space<vmem>>
          %dma_wait3A_356 = tpu.memref_squeeze %dma_wait3A_355 : memref<1x512x64xf32, #tpu.memory_space<vmem>> -> memref<512x64xf32, #tpu.memory_space<vmem>>
          %dma_wait3A_357 = arith.constant 0 : i32
          %dma_wait3A_358 = tpu.memref_slice %arg4[%add3A_351, %dma_wait3A_357] : memref<819200x64xf32, #tpu.memory_space<hbm>> -> memref<512x64xf32, #tpu.memory_space<hbm>>
          %dma_wait3A_359 = arith.constant 0 : i32
          %dma_wait3A_360 = tpu.memref_slice %arg4[%add3A_351, %dma_wait3A_359] : memref<819200x64xf32, #tpu.memory_space<hbm>> -> memref<512x64xf32, #tpu.memory_space<hbm>>
          %dma_wait3A_361 = arith.constant 0 : i32
          %dma_wait3A_362 = arith.constant 0 : i32
          %dma_wait3A_363 = tpu.memref_slice %arg6[%dma_wait3A_352, %dma_wait3A_361, %dma_wait3A_362] : memref<3x512x64xf32, #tpu.memory_space<vmem>> -> memref<1x512x64xf32, #tpu.memory_space<vmem>>
          %dma_wait3A_364 = tpu.memref_squeeze %dma_wait3A_363 : memref<1x512x64xf32, #tpu.memory_space<vmem>> -> memref<512x64xf32, #tpu.memory_space<vmem>>
          tpu.wait_dma2 semaphore(%arg11 : memref<!tpu.dma_semaphore, #tpu.memory_space<semaphore_mem>>) src(%dma_wait3A_364 : memref<512x64xf32, #tpu.memory_space<vmem>>) dst(%dma_wait3A_360 : memref<512x64xf32, #tpu.memory_space<hbm>>)
          %add3A_365 = arith.constant 3 : i32
          %add3A_366 = arith.addi %scan3A_213, %add3A_365 : i32
          %sub3A_367 = arith.constant 1 : i32
          %sub3A_368 = arith.subi %add3A_366, %sub3A_367 : i32
          %mul3A_369 = arith.constant 512 : i32
          %mul3A_370 = arith.muli %sub3A_368, %mul3A_369 : i32
          %add3A_371 = arith.constant 0 : i32
          %add3A_372 = arith.addi %mul3A_370, %add3A_371 : i32
          %dma_start3A_373 = arith.constant 1 : i32
          %dma_start3A_374 = arith.constant 0 : i32
          %dma_start3A_375 = arith.constant 0 : i32
          %dma_start3A_376 = tpu.memref_slice %arg6[%dma_start3A_373, %dma_start3A_374, %dma_start3A_375] : memref<3x512x64xf32, #tpu.memory_space<vmem>> -> memref<1x512x64xf32, #tpu.memory_space<vmem>>
          %dma_start3A_377 = tpu.memref_squeeze %dma_start3A_376 : memref<1x512x64xf32, #tpu.memory_space<vmem>> -> memref<512x64xf32, #tpu.memory_space<vmem>>
          %dma_start3A_378 = arith.constant 0 : i32
          %dma_start3A_379 = arith.constant 0 : i32
          %dma_start3A_380 = tpu.memref_slice %dma_start3A_377[%dma_start3A_378, %dma_start3A_379] : memref<512x64xf32, #tpu.memory_space<vmem>> -> memref<128x64xf32, #tpu.memory_space<vmem>>
          %dma_start3A_381 = tpu.memref_slice %arg5[%add3A_372] : memref<25600xi32, #tpu.memory_space<vmem>> -> memref<128xi32, #tpu.memory_space<vmem>>
          %dma_start3A_382 = arith.constant 0 : i32
          %dma_start3A_383 = arith.constant 0 : i32
          %dma_start3A_384 = tpu.memref_slice %arg3[%dma_start3A_382, %dma_start3A_383] : memref<1048576x64xf32, #tpu.memory_space<hbm>> -> memref<1048576x64xf32, #tpu.memory_space<hbm>>
          tpu.enqueue_indirect_dma source(%dma_start3A_384 : memref<1048576x64xf32, #tpu.memory_space<hbm>>) target(%dma_start3A_380 : memref<128x64xf32, #tpu.memory_space<vmem>>) offsets(%dma_start3A_381 : memref<128xi32, #tpu.memory_space<vmem>>) semaphore(%arg8 : memref<!tpu.dma_semaphore, #tpu.memory_space<semaphore_mem>>)
          %mul3A_385 = arith.constant 512 : i32
          %mul3A_386 = arith.muli %sub3A_368, %mul3A_385 : i32
          %add3A_387 = arith.constant 128 : i32
          %add3A_388 = arith.addi %mul3A_386, %add3A_387 : i32
          %dma_start3A_389 = arith.constant 1 : i32
          %dma_start3A_390 = arith.constant 0 : i32
          %dma_start3A_391 = arith.constant 0 : i32
          %dma_start3A_392 = tpu.memref_slice %arg6[%dma_start3A_389, %dma_start3A_390, %dma_start3A_391] : memref<3x512x64xf32, #tpu.memory_space<vmem>> -> memref<1x512x64xf32, #tpu.memory_space<vmem>>
          %dma_start3A_393 = tpu.memref_squeeze %dma_start3A_392 : memref<1x512x64xf32, #tpu.memory_space<vmem>> -> memref<512x64xf32, #tpu.memory_space<vmem>>
          %dma_start3A_394 = arith.constant 128 : i32
          %dma_start3A_395 = arith.constant 0 : i32
          %dma_start3A_396 = tpu.memref_slice %dma_start3A_393[%dma_start3A_394, %dma_start3A_395] : memref<512x64xf32, #tpu.memory_space<vmem>> -> memref<128x64xf32, #tpu.memory_space<vmem>>
          %dma_start3A_397 = tpu.memref_slice %arg5[%add3A_388] : memref<25600xi32, #tpu.memory_space<vmem>> -> memref<128xi32, #tpu.memory_space<vmem>>
          %dma_start3A_398 = arith.constant 0 : i32
          %dma_start3A_399 = arith.constant 0 : i32
          %dma_start3A_400 = tpu.memref_slice %arg3[%dma_start3A_398, %dma_start3A_399] : memref<1048576x64xf32, #tpu.memory_space<hbm>> -> memref<1048576x64xf32, #tpu.memory_space<hbm>>
          tpu.enqueue_indirect_dma source(%dma_start3A_400 : memref<1048576x64xf32, #tpu.memory_space<hbm>>) target(%dma_start3A_396 : memref<128x64xf32, #tpu.memory_space<vmem>>) offsets(%dma_start3A_397 : memref<128xi32, #tpu.memory_space<vmem>>) semaphore(%arg8 : memref<!tpu.dma_semaphore, #tpu.memory_space<semaphore_mem>>)
          %mul3A_401 = arith.constant 512 : i32
          %mul3A_402 = arith.muli %sub3A_368, %mul3A_401 : i32
          %add3A_403 = arith.constant 256 : i32
          %add3A_404 = arith.addi %mul3A_402, %add3A_403 : i32
          %dma_start3A_405 = arith.constant 1 : i32
          %dma_start3A_406 = arith.constant 0 : i32
          %dma_start3A_407 = arith.constant 0 : i32
          %dma_start3A_408 = tpu.memref_slice %arg6[%dma_start3A_405, %dma_start3A_406, %dma_start3A_407] : memref<3x512x64xf32, #tpu.memory_space<vmem>> -> memref<1x512x64xf32, #tpu.memory_space<vmem>>
          %dma_start3A_409 = tpu.memref_squeeze %dma_start3A_408 : memref<1x512x64xf32, #tpu.memory_space<vmem>> -> memref<512x64xf32, #tpu.memory_space<vmem>>
          %dma_start3A_410 = arith.constant 256 : i32
          %dma_start3A_411 = arith.constant 0 : i32
          %dma_start3A_412 = tpu.memref_slice %dma_start3A_409[%dma_start3A_410, %dma_start3A_411] : memref<512x64xf32, #tpu.memory_space<vmem>> -> memref<128x64xf32, #tpu.memory_space<vmem>>
          %dma_start3A_413 = tpu.memref_slice %arg5[%add3A_404] : memref<25600xi32, #tpu.memory_space<vmem>> -> memref<128xi32, #tpu.memory_space<vmem>>
          %dma_start3A_414 = arith.constant 0 : i32
          %dma_start3A_415 = arith.constant 0 : i32
          %dma_start3A_416 = tpu.memref_slice %arg3[%dma_start3A_414, %dma_start3A_415] : memref<1048576x64xf32, #tpu.memory_space<hbm>> -> memref<1048576x64xf32, #tpu.memory_space<hbm>>
          tpu.enqueue_indirect_dma source(%dma_start3A_416 : memref<1048576x64xf32, #tpu.memory_space<hbm>>) target(%dma_start3A_412 : memref<128x64xf32, #tpu.memory_space<vmem>>) offsets(%dma_start3A_413 : memref<128xi32, #tpu.memory_space<vmem>>) semaphore(%arg8 : memref<!tpu.dma_semaphore, #tpu.memory_space<semaphore_mem>>)
          %mul3A_417 = arith.constant 512 : i32
          %mul3A_418 = arith.muli %sub3A_368, %mul3A_417 : i32
          %add3A_419 = arith.constant 384 : i32
          %add3A_420 = arith.addi %mul3A_418, %add3A_419 : i32
          %dma_start3A_421 = arith.constant 1 : i32
          %dma_start3A_422 = arith.constant 0 : i32
          %dma_start3A_423 = arith.constant 0 : i32
          %dma_start3A_424 = tpu.memref_slice %arg6[%dma_start3A_421, %dma_start3A_422, %dma_start3A_423] : memref<3x512x64xf32, #tpu.memory_space<vmem>> -> memref<1x512x64xf32, #tpu.memory_space<vmem>>
          %dma_start3A_425 = tpu.memref_squeeze %dma_start3A_424 : memref<1x512x64xf32, #tpu.memory_space<vmem>> -> memref<512x64xf32, #tpu.memory_space<vmem>>
          %dma_start3A_426 = arith.constant 384 : i32
          %dma_start3A_427 = arith.constant 0 : i32
          %dma_start3A_428 = tpu.memref_slice %dma_start3A_425[%dma_start3A_426, %dma_start3A_427] : memref<512x64xf32, #tpu.memory_space<vmem>> -> memref<128x64xf32, #tpu.memory_space<vmem>>
          %dma_start3A_429 = tpu.memref_slice %arg5[%add3A_420] : memref<25600xi32, #tpu.memory_space<vmem>> -> memref<128xi32, #tpu.memory_space<vmem>>
          %dma_start3A_430 = arith.constant 0 : i32
          %dma_start3A_431 = arith.constant 0 : i32
          %dma_start3A_432 = tpu.memref_slice %arg3[%dma_start3A_430, %dma_start3A_431] : memref<1048576x64xf32, #tpu.memory_space<hbm>> -> memref<1048576x64xf32, #tpu.memory_space<hbm>>
          tpu.enqueue_indirect_dma source(%dma_start3A_432 : memref<1048576x64xf32, #tpu.memory_space<hbm>>) target(%dma_start3A_428 : memref<128x64xf32, #tpu.memory_space<vmem>>) offsets(%dma_start3A_429 : memref<128xi32, #tpu.memory_space<vmem>>) semaphore(%arg8 : memref<!tpu.dma_semaphore, #tpu.memory_space<semaphore_mem>>)
        } else {
        }
        %sub3A_324 = arith.constant 1 : i32
        %sub3A_325 = arith.subi %scan3A_213, %sub3A_324 : i32
        %jit3A_326 = arith.constant 3 : i32
        %eq3A_327 = arith.constant 0 : i32
        %eq3A_328 = arith.cmpi eq, %jit3A_326, %eq3A_327 : i32
        %jit3A_329 = arith.constant 1 : i32
        %select_n3A_330 = arith.select %eq3A_328, %jit3A_329, %jit3A_326 : i32
        %rem3A_331 = arith.remsi %sub3A_325, %select_n3A_330 : i32
        %ne3A_332 = arith.constant 0 : i32
        %ne3A_333 = arith.cmpi ne, %rem3A_331, %ne3A_332 : i32
        %lt3A_334 = arith.constant 0 : i32
        %lt3A_335 = arith.cmpi slt, %rem3A_331, %lt3A_334 : i32
        %lt3A_336 = arith.constant 0 : i32
        %lt3A_337 = arith.cmpi slt, %select_n3A_330, %lt3A_336 : i32
        %ne3A_338 = arith.xori %lt3A_335, %lt3A_337 : i1
        %and3A_339 = arith.andi %ne3A_338, %ne3A_333 : i1
        %add3A_340 = arith.addi %rem3A_331, %select_n3A_330 : i32
        %select_n3A_341 = arith.select %and3A_339, %add3A_340, %rem3A_331 : i32
        %eq3A_342 = arith.constant 2 : i32
        %eq3A_343 = arith.cmpi eq, %select_n3A_341, %eq3A_342 : i32
        %convert_element_type3A_344 = arith.extui %eq3A_343 : i1 to i32
        %cond3A_345 = arith.constant 0 : i32
        %cond3A_346 = arith.cmpi ne, %convert_element_type3A_344, %cond3A_345 : i32
        scf.if %cond3A_346 {
          %sub3A_347 = arith.constant 1 : i32
          %sub3A_348 = arith.subi %scan3A_213, %sub3A_347 : i32
          %mul3A_349 = arith.constant 512 : i32
          %mul3A_350 = arith.muli %sub3A_348, %mul3A_349 : i32
          %add3A_351 = arith.addi %mul3A_2, %mul3A_350 : i32
          %dma_wait3A_352 = arith.constant 2 : i32
          %dma_wait3A_353 = arith.constant 0 : i32
          %dma_wait3A_354 = arith.constant 0 : i32
          %dma_wait3A_355 = tpu.memref_slice %arg6[%dma_wait3A_352, %dma_wait3A_353, %dma_wait3A_354] : memref<3x512x64xf32, #tpu.memory_space<vmem>> -> memref<1x512x64xf32, #tpu.memory_space<vmem>>
          %dma_wait3A_356 = tpu.memref_squeeze %dma_wait3A_355 : memref<1x512x64xf32, #tpu.memory_space<vmem>> -> memref<512x64xf32, #tpu.memory_space<vmem>>
          %dma_wait3A_357 = arith.constant 0 : i32
          %dma_wait3A_358 = tpu.memref_slice %arg4[%add3A_351, %dma_wait3A_357] : memref<819200x64xf32, #tpu.memory_space<hbm>> -> memref<512x64xf32, #tpu.memory_space<hbm>>
          %dma_wait3A_359 = arith.constant 0 : i32
          %dma_wait3A_360 = tpu.memref_slice %arg4[%add3A_351, %dma_wait3A_359] : memref<819200x64xf32, #tpu.memory_space<hbm>> -> memref<512x64xf32, #tpu.memory_space<hbm>>
          %dma_wait3A_361 = arith.constant 0 : i32
          %dma_wait3A_362 = arith.constant 0 : i32
          %dma_wait3A_363 = tpu.memref_slice %arg6[%dma_wait3A_352, %dma_wait3A_361, %dma_wait3A_362] : memref<3x512x64xf32, #tpu.memory_space<vmem>> -> memref<1x512x64xf32, #tpu.memory_space<vmem>>
          %dma_wait3A_364 = tpu.memref_squeeze %dma_wait3A_363 : memref<1x512x64xf32, #tpu.memory_space<vmem>> -> memref<512x64xf32, #tpu.memory_space<vmem>>
          tpu.wait_dma2 semaphore(%arg12 : memref<!tpu.dma_semaphore, #tpu.memory_space<semaphore_mem>>) src(%dma_wait3A_364 : memref<512x64xf32, #tpu.memory_space<vmem>>) dst(%dma_wait3A_360 : memref<512x64xf32, #tpu.memory_space<hbm>>)
          %add3A_365 = arith.constant 3 : i32
          %add3A_366 = arith.addi %scan3A_213, %add3A_365 : i32
          %sub3A_367 = arith.constant 1 : i32
          %sub3A_368 = arith.subi %add3A_366, %sub3A_367 : i32
          %mul3A_369 = arith.constant 512 : i32
          %mul3A_370 = arith.muli %sub3A_368, %mul3A_369 : i32
          %add3A_371 = arith.constant 0 : i32
          %add3A_372 = arith.addi %mul3A_370, %add3A_371 : i32
          %dma_start3A_373 = arith.constant 2 : i32
          %dma_start3A_374 = arith.constant 0 : i32
          %dma_start3A_375 = arith.constant 0 : i32
          %dma_start3A_376 = tpu.memref_slice %arg6[%dma_start3A_373, %dma_start3A_374, %dma_start3A_375] : memref<3x512x64xf32, #tpu.memory_space<vmem>> -> memref<1x512x64xf32, #tpu.memory_space<vmem>>
          %dma_start3A_377 = tpu.memref_squeeze %dma_start3A_376 : memref<1x512x64xf32, #tpu.memory_space<vmem>> -> memref<512x64xf32, #tpu.memory_space<vmem>>
          %dma_start3A_378 = arith.constant 0 : i32
          %dma_start3A_379 = arith.constant 0 : i32
          %dma_start3A_380 = tpu.memref_slice %dma_start3A_377[%dma_start3A_378, %dma_start3A_379] : memref<512x64xf32, #tpu.memory_space<vmem>> -> memref<128x64xf32, #tpu.memory_space<vmem>>
          %dma_start3A_381 = tpu.memref_slice %arg5[%add3A_372] : memref<25600xi32, #tpu.memory_space<vmem>> -> memref<128xi32, #tpu.memory_space<vmem>>
          %dma_start3A_382 = arith.constant 0 : i32
          %dma_start3A_383 = arith.constant 0 : i32
          %dma_start3A_384 = tpu.memref_slice %arg3[%dma_start3A_382, %dma_start3A_383] : memref<1048576x64xf32, #tpu.memory_space<hbm>> -> memref<1048576x64xf32, #tpu.memory_space<hbm>>
          tpu.enqueue_indirect_dma source(%dma_start3A_384 : memref<1048576x64xf32, #tpu.memory_space<hbm>>) target(%dma_start3A_380 : memref<128x64xf32, #tpu.memory_space<vmem>>) offsets(%dma_start3A_381 : memref<128xi32, #tpu.memory_space<vmem>>) semaphore(%arg9 : memref<!tpu.dma_semaphore, #tpu.memory_space<semaphore_mem>>)
          %mul3A_385 = arith.constant 512 : i32
          %mul3A_386 = arith.muli %sub3A_368, %mul3A_385 : i32
          %add3A_387 = arith.constant 128 : i32
          %add3A_388 = arith.addi %mul3A_386, %add3A_387 : i32
          %dma_start3A_389 = arith.constant 2 : i32
          %dma_start3A_390 = arith.constant 0 : i32
          %dma_start3A_391 = arith.constant 0 : i32
          %dma_start3A_392 = tpu.memref_slice %arg6[%dma_start3A_389, %dma_start3A_390, %dma_start3A_391] : memref<3x512x64xf32, #tpu.memory_space<vmem>> -> memref<1x512x64xf32, #tpu.memory_space<vmem>>
          %dma_start3A_393 = tpu.memref_squeeze %dma_start3A_392 : memref<1x512x64xf32, #tpu.memory_space<vmem>> -> memref<512x64xf32, #tpu.memory_space<vmem>>
          %dma_start3A_394 = arith.constant 128 : i32
          %dma_start3A_395 = arith.constant 0 : i32
          %dma_start3A_396 = tpu.memref_slice %dma_start3A_393[%dma_start3A_394, %dma_start3A_395] : memref<512x64xf32, #tpu.memory_space<vmem>> -> memref<128x64xf32, #tpu.memory_space<vmem>>
          %dma_start3A_397 = tpu.memref_slice %arg5[%add3A_388] : memref<25600xi32, #tpu.memory_space<vmem>> -> memref<128xi32, #tpu.memory_space<vmem>>
          %dma_start3A_398 = arith.constant 0 : i32
          %dma_start3A_399 = arith.constant 0 : i32
          %dma_start3A_400 = tpu.memref_slice %arg3[%dma_start3A_398, %dma_start3A_399] : memref<1048576x64xf32, #tpu.memory_space<hbm>> -> memref<1048576x64xf32, #tpu.memory_space<hbm>>
          tpu.enqueue_indirect_dma source(%dma_start3A_400 : memref<1048576x64xf32, #tpu.memory_space<hbm>>) target(%dma_start3A_396 : memref<128x64xf32, #tpu.memory_space<vmem>>) offsets(%dma_start3A_397 : memref<128xi32, #tpu.memory_space<vmem>>) semaphore(%arg9 : memref<!tpu.dma_semaphore, #tpu.memory_space<semaphore_mem>>)
          %mul3A_401 = arith.constant 512 : i32
          %mul3A_402 = arith.muli %sub3A_368, %mul3A_401 : i32
          %add3A_403 = arith.constant 256 : i32
          %add3A_404 = arith.addi %mul3A_402, %add3A_403 : i32
          %dma_start3A_405 = arith.constant 2 : i32
          %dma_start3A_406 = arith.constant 0 : i32
          %dma_start3A_407 = arith.constant 0 : i32
          %dma_start3A_408 = tpu.memref_slice %arg6[%dma_start3A_405, %dma_start3A_406, %dma_start3A_407] : memref<3x512x64xf32, #tpu.memory_space<vmem>> -> memref<1x512x64xf32, #tpu.memory_space<vmem>>
          %dma_start3A_409 = tpu.memref_squeeze %dma_start3A_408 : memref<1x512x64xf32, #tpu.memory_space<vmem>> -> memref<512x64xf32, #tpu.memory_space<vmem>>
          %dma_start3A_410 = arith.constant 256 : i32
          %dma_start3A_411 = arith.constant 0 : i32
          %dma_start3A_412 = tpu.memref_slice %dma_start3A_409[%dma_start3A_410, %dma_start3A_411] : memref<512x64xf32, #tpu.memory_space<vmem>> -> memref<128x64xf32, #tpu.memory_space<vmem>>
          %dma_start3A_413 = tpu.memref_slice %arg5[%add3A_404] : memref<25600xi32, #tpu.memory_space<vmem>> -> memref<128xi32, #tpu.memory_space<vmem>>
          %dma_start3A_414 = arith.constant 0 : i32
          %dma_start3A_415 = arith.constant 0 : i32
          %dma_start3A_416 = tpu.memref_slice %arg3[%dma_start3A_414, %dma_start3A_415] : memref<1048576x64xf32, #tpu.memory_space<hbm>> -> memref<1048576x64xf32, #tpu.memory_space<hbm>>
          tpu.enqueue_indirect_dma source(%dma_start3A_416 : memref<1048576x64xf32, #tpu.memory_space<hbm>>) target(%dma_start3A_412 : memref<128x64xf32, #tpu.memory_space<vmem>>) offsets(%dma_start3A_413 : memref<128xi32, #tpu.memory_space<vmem>>) semaphore(%arg9 : memref<!tpu.dma_semaphore, #tpu.memory_space<semaphore_mem>>)
          %mul3A_417 = arith.constant 512 : i32
          %mul3A_418 = arith.muli %sub3A_368, %mul3A_417 : i32
          %add3A_419 = arith.constant 384 : i32
          %add3A_420 = arith.addi %mul3A_418, %add3A_419 : i32
          %dma_start3A_421 = arith.constant 2 : i32
          %dma_start3A_422 = arith.constant 0 : i32
          %dma_start3A_423 = arith.constant 0 : i32
          %dma_start3A_424 = tpu.memref_slice %arg6[%dma_start3A_421, %dma_start3A_422, %dma_start3A_423] : memref<3x512x64xf32, #tpu.memory_space<vmem>> -> memref<1x512x64xf32, #tpu.memory_space<vmem>>
          %dma_start3A_425 = tpu.memref_squeeze %dma_start3A_424 : memref<1x512x64xf32, #tpu.memory_space<vmem>> -> memref<512x64xf32, #tpu.memory_space<vmem>>
          %dma_start3A_426 = arith.constant 384 : i32
          %dma_start3A_427 = arith.constant 0 : i32
          %dma_start3A_428 = tpu.memref_slice %dma_start3A_425[%dma_start3A_426, %dma_start3A_427] : memref<512x64xf32, #tpu.memory_space<vmem>> -> memref<128x64xf32, #tpu.memory_space<vmem>>
          %dma_start3A_429 = tpu.memref_slice %arg5[%add3A_420] : memref<25600xi32, #tpu.memory_space<vmem>> -> memref<128xi32, #tpu.memory_space<vmem>>
          %dma_start3A_430 = arith.constant 0 : i32
          %dma_start3A_431 = arith.constant 0 : i32
          %dma_start3A_432 = tpu.memref_slice %arg3[%dma_start3A_430, %dma_start3A_431] : memref<1048576x64xf32, #tpu.memory_space<hbm>> -> memref<1048576x64xf32, #tpu.memory_space<hbm>>
          tpu.enqueue_indirect_dma source(%dma_start3A_432 : memref<1048576x64xf32, #tpu.memory_space<hbm>>) target(%dma_start3A_428 : memref<128x64xf32, #tpu.memory_space<vmem>>) offsets(%dma_start3A_429 : memref<128xi32, #tpu.memory_space<vmem>>) semaphore(%arg9 : memref<!tpu.dma_semaphore, #tpu.memory_space<semaphore_mem>>)
        } else {
        }
      } else {
      }
      %jit3A = arith.constant 3 : i32
      %eq3A = arith.constant 0 : i32
      %eq3A_220 = arith.cmpi eq, %jit3A, %eq3A : i32
      %jit3A_221 = arith.constant 1 : i32
      %select_n3A = arith.select %eq3A_220, %jit3A_221, %jit3A : i32
      %rem3A = arith.remsi %scan3A_213, %select_n3A : i32
      %ne3A = arith.constant 0 : i32
      %ne3A_222 = arith.cmpi ne, %rem3A, %ne3A : i32
      %lt3A_223 = arith.constant 0 : i32
      %lt3A_224 = arith.cmpi slt, %rem3A, %lt3A_223 : i32
      %lt3A_225 = arith.constant 0 : i32
      %lt3A_226 = arith.cmpi slt, %select_n3A, %lt3A_225 : i32
      %ne3A_227 = arith.xori %lt3A_224, %lt3A_226 : i1
      %and3A_228 = arith.andi %ne3A_227, %ne3A_222 : i1
      %add3A_229 = arith.addi %rem3A, %select_n3A : i32
      %select_n3A_230 = arith.select %and3A_228, %add3A_229, %rem3A : i32
      %eq3A_231 = arith.constant 0 : i32
      %eq3A_232 = arith.cmpi eq, %select_n3A_230, %eq3A_231 : i32
      %convert_element_type3A_233 = arith.extui %eq3A_232 : i1 to i32
      %cond3A_234 = arith.constant 0 : i32
      %cond3A_235 = arith.cmpi ne, %convert_element_type3A_233, %cond3A_234 : i32
      scf.if %cond3A_235 {
        %mul3A_278 = arith.constant 512 : i32
        %mul3A_279 = arith.muli %scan3A_213, %mul3A_278 : i32
        %add3A_280 = arith.constant 0 : i32
        %add3A_281 = arith.addi %mul3A_279, %add3A_280 : i32
        %dma_wait3A_282 = arith.constant 0 : i32
        %dma_wait3A_283 = arith.constant 0 : i32
        %dma_wait3A_284 = arith.constant 0 : i32
        %dma_wait3A_285 = tpu.memref_slice %arg6[%dma_wait3A_282, %dma_wait3A_283, %dma_wait3A_284] : memref<3x512x64xf32, #tpu.memory_space<vmem>> -> memref<1x512x64xf32, #tpu.memory_space<vmem>>
        %dma_wait3A_286 = tpu.memref_squeeze %dma_wait3A_285 : memref<1x512x64xf32, #tpu.memory_space<vmem>> -> memref<512x64xf32, #tpu.memory_space<vmem>>
        %dma_wait3A_287 = arith.constant 0 : i32
        %dma_wait3A_288 = arith.constant 0 : i32
        %dma_wait3A_289 = tpu.memref_slice %dma_wait3A_286[%dma_wait3A_287, %dma_wait3A_288] : memref<512x64xf32, #tpu.memory_space<vmem>> -> memref<128x64xf32, #tpu.memory_space<vmem>>
        %dma_wait3A_290 = tpu.memref_slice %arg5[%add3A_281] : memref<25600xi32, #tpu.memory_space<vmem>> -> memref<128xi32, #tpu.memory_space<vmem>>
        %dma_wait3A_291 = arith.constant 0 : i32
        %dma_wait3A_292 = arith.constant 0 : i32
        %dma_wait3A_293 = tpu.memref_slice %arg3[%dma_wait3A_291, %dma_wait3A_292] : memref<1048576x64xf32, #tpu.memory_space<hbm>> -> memref<1048576x64xf32, #tpu.memory_space<hbm>>
        tpu.wait_indirect_dma semaphore(%arg7 : memref<!tpu.dma_semaphore, #tpu.memory_space<semaphore_mem>>) src(%dma_wait3A_293 : memref<1048576x64xf32, #tpu.memory_space<hbm>>) dst(%dma_wait3A_289 : memref<128x64xf32, #tpu.memory_space<vmem>>)
        %mul3A_294 = arith.constant 512 : i32
        %mul3A_295 = arith.muli %scan3A_213, %mul3A_294 : i32
        %add3A_296 = arith.constant 128 : i32
        %add3A_297 = arith.addi %mul3A_295, %add3A_296 : i32
        %dma_wait3A_298 = arith.constant 0 : i32
        %dma_wait3A_299 = arith.constant 0 : i32
        %dma_wait3A_300 = arith.constant 0 : i32
        %dma_wait3A_301 = tpu.memref_slice %arg6[%dma_wait3A_298, %dma_wait3A_299, %dma_wait3A_300] : memref<3x512x64xf32, #tpu.memory_space<vmem>> -> memref<1x512x64xf32, #tpu.memory_space<vmem>>
        %dma_wait3A_302 = tpu.memref_squeeze %dma_wait3A_301 : memref<1x512x64xf32, #tpu.memory_space<vmem>> -> memref<512x64xf32, #tpu.memory_space<vmem>>
        %dma_wait3A_303 = arith.constant 128 : i32
        %dma_wait3A_304 = arith.constant 0 : i32
        %dma_wait3A_305 = tpu.memref_slice %dma_wait3A_302[%dma_wait3A_303, %dma_wait3A_304] : memref<512x64xf32, #tpu.memory_space<vmem>> -> memref<128x64xf32, #tpu.memory_space<vmem>>
        %dma_wait3A_306 = tpu.memref_slice %arg5[%add3A_297] : memref<25600xi32, #tpu.memory_space<vmem>> -> memref<128xi32, #tpu.memory_space<vmem>>
        %dma_wait3A_307 = arith.constant 0 : i32
        %dma_wait3A_308 = arith.constant 0 : i32
        %dma_wait3A_309 = tpu.memref_slice %arg3[%dma_wait3A_307, %dma_wait3A_308] : memref<1048576x64xf32, #tpu.memory_space<hbm>> -> memref<1048576x64xf32, #tpu.memory_space<hbm>>
        tpu.wait_indirect_dma semaphore(%arg7 : memref<!tpu.dma_semaphore, #tpu.memory_space<semaphore_mem>>) src(%dma_wait3A_309 : memref<1048576x64xf32, #tpu.memory_space<hbm>>) dst(%dma_wait3A_305 : memref<128x64xf32, #tpu.memory_space<vmem>>)
        %mul3A_310 = arith.constant 512 : i32
        %mul3A_311 = arith.muli %scan3A_213, %mul3A_310 : i32
        %add3A_312 = arith.constant 256 : i32
        %add3A_313 = arith.addi %mul3A_311, %add3A_312 : i32
        %dma_wait3A_314 = arith.constant 0 : i32
        %dma_wait3A_315 = arith.constant 0 : i32
        %dma_wait3A_316 = arith.constant 0 : i32
        %dma_wait3A_317 = tpu.memref_slice %arg6[%dma_wait3A_314, %dma_wait3A_315, %dma_wait3A_316] : memref<3x512x64xf32, #tpu.memory_space<vmem>> -> memref<1x512x64xf32, #tpu.memory_space<vmem>>
        %dma_wait3A_318 = tpu.memref_squeeze %dma_wait3A_317 : memref<1x512x64xf32, #tpu.memory_space<vmem>> -> memref<512x64xf32, #tpu.memory_space<vmem>>
        %dma_wait3A_319 = arith.constant 256 : i32
        %dma_wait3A_320 = arith.constant 0 : i32
        %dma_wait3A_321 = tpu.memref_slice %dma_wait3A_318[%dma_wait3A_319, %dma_wait3A_320] : memref<512x64xf32, #tpu.memory_space<vmem>> -> memref<128x64xf32, #tpu.memory_space<vmem>>
        %dma_wait3A_322 = tpu.memref_slice %arg5[%add3A_313] : memref<25600xi32, #tpu.memory_space<vmem>> -> memref<128xi32, #tpu.memory_space<vmem>>
        %dma_wait3A_323 = arith.constant 0 : i32
        %dma_wait3A_324 = arith.constant 0 : i32
        %dma_wait3A_325 = tpu.memref_slice %arg3[%dma_wait3A_323, %dma_wait3A_324] : memref<1048576x64xf32, #tpu.memory_space<hbm>> -> memref<1048576x64xf32, #tpu.memory_space<hbm>>
        tpu.wait_indirect_dma semaphore(%arg7 : memref<!tpu.dma_semaphore, #tpu.memory_space<semaphore_mem>>) src(%dma_wait3A_325 : memref<1048576x64xf32, #tpu.memory_space<hbm>>) dst(%dma_wait3A_321 : memref<128x64xf32, #tpu.memory_space<vmem>>)
        %mul3A_326 = arith.constant 512 : i32
        %mul3A_327 = arith.muli %scan3A_213, %mul3A_326 : i32
        %add3A_328 = arith.constant 384 : i32
        %add3A_329 = arith.addi %mul3A_327, %add3A_328 : i32
        %dma_wait3A_330 = arith.constant 0 : i32
        %dma_wait3A_331 = arith.constant 0 : i32
        %dma_wait3A_332 = arith.constant 0 : i32
        %dma_wait3A_333 = tpu.memref_slice %arg6[%dma_wait3A_330, %dma_wait3A_331, %dma_wait3A_332] : memref<3x512x64xf32, #tpu.memory_space<vmem>> -> memref<1x512x64xf32, #tpu.memory_space<vmem>>
        %dma_wait3A_334 = tpu.memref_squeeze %dma_wait3A_333 : memref<1x512x64xf32, #tpu.memory_space<vmem>> -> memref<512x64xf32, #tpu.memory_space<vmem>>
        %dma_wait3A_335 = arith.constant 384 : i32
        %dma_wait3A_336 = arith.constant 0 : i32
        %dma_wait3A_337 = tpu.memref_slice %dma_wait3A_334[%dma_wait3A_335, %dma_wait3A_336] : memref<512x64xf32, #tpu.memory_space<vmem>> -> memref<128x64xf32, #tpu.memory_space<vmem>>
        %dma_wait3A_338 = tpu.memref_slice %arg5[%add3A_329] : memref<25600xi32, #tpu.memory_space<vmem>> -> memref<128xi32, #tpu.memory_space<vmem>>
        %dma_wait3A_339 = arith.constant 0 : i32
        %dma_wait3A_340 = arith.constant 0 : i32
        %dma_wait3A_341 = tpu.memref_slice %arg3[%dma_wait3A_339, %dma_wait3A_340] : memref<1048576x64xf32, #tpu.memory_space<hbm>> -> memref<1048576x64xf32, #tpu.memory_space<hbm>>
        tpu.wait_indirect_dma semaphore(%arg7 : memref<!tpu.dma_semaphore, #tpu.memory_space<semaphore_mem>>) src(%dma_wait3A_341 : memref<1048576x64xf32, #tpu.memory_space<hbm>>) dst(%dma_wait3A_337 : memref<128x64xf32, #tpu.memory_space<vmem>>)
        %mul3A_342 = arith.constant 512 : i32
        %mul3A_343 = arith.muli %scan3A_213, %mul3A_342 : i32
        %add3A_344 = arith.addi %mul3A_2, %mul3A_343 : i32
        %dma_start3A_345 = arith.constant 0 : i32
        %dma_start3A_346 = arith.constant 0 : i32
        %dma_start3A_347 = arith.constant 0 : i32
        %dma_start3A_348 = tpu.memref_slice %arg6[%dma_start3A_345, %dma_start3A_346, %dma_start3A_347] : memref<3x512x64xf32, #tpu.memory_space<vmem>> -> memref<1x512x64xf32, #tpu.memory_space<vmem>>
        %dma_start3A_349 = tpu.memref_squeeze %dma_start3A_348 : memref<1x512x64xf32, #tpu.memory_space<vmem>> -> memref<512x64xf32, #tpu.memory_space<vmem>>
        %dma_start3A_350 = arith.constant 0 : i32
        %dma_start3A_351 = tpu.memref_slice %arg4[%add3A_344, %dma_start3A_350] : memref<819200x64xf32, #tpu.memory_space<hbm>> -> memref<512x64xf32, #tpu.memory_space<hbm>>
        %dma_start3A_352 = arith.constant 0 : i32
        %dma_start3A_353 = tpu.memref_slice %arg4[%add3A_344, %dma_start3A_352] : memref<819200x64xf32, #tpu.memory_space<hbm>> -> memref<512x64xf32, #tpu.memory_space<hbm>>
        %dma_start3A_354 = arith.constant 0 : i32
        %dma_start3A_355 = arith.constant 0 : i32
        %dma_start3A_356 = tpu.memref_slice %arg6[%dma_start3A_345, %dma_start3A_354, %dma_start3A_355] : memref<3x512x64xf32, #tpu.memory_space<vmem>> -> memref<1x512x64xf32, #tpu.memory_space<vmem>>
        %dma_start3A_357 = tpu.memref_squeeze %dma_start3A_356 : memref<1x512x64xf32, #tpu.memory_space<vmem>> -> memref<512x64xf32, #tpu.memory_space<vmem>>
        tpu.enqueue_dma source(%dma_start3A_357 : memref<512x64xf32, #tpu.memory_space<vmem>>) target(%dma_start3A_353 : memref<512x64xf32, #tpu.memory_space<hbm>>) target_semaphore(%arg10 : memref<!tpu.dma_semaphore, #tpu.memory_space<semaphore_mem>>)
      } else {
      }
      %jit3A_236 = arith.constant 3 : i32
      %eq3A_237 = arith.constant 0 : i32
      %eq3A_238 = arith.cmpi eq, %jit3A_236, %eq3A_237 : i32
      %jit3A_239 = arith.constant 1 : i32
      %select_n3A_240 = arith.select %eq3A_238, %jit3A_239, %jit3A_236 : i32
      %rem3A_241 = arith.remsi %scan3A_213, %select_n3A_240 : i32
      %ne3A_242 = arith.constant 0 : i32
      %ne3A_243 = arith.cmpi ne, %rem3A_241, %ne3A_242 : i32
      %lt3A_244 = arith.constant 0 : i32
      %lt3A_245 = arith.cmpi slt, %rem3A_241, %lt3A_244 : i32
      %lt3A_246 = arith.constant 0 : i32
      %lt3A_247 = arith.cmpi slt, %select_n3A_240, %lt3A_246 : i32
      %ne3A_248 = arith.xori %lt3A_245, %lt3A_247 : i1
      %and3A_249 = arith.andi %ne3A_248, %ne3A_243 : i1
      %add3A_250 = arith.addi %rem3A_241, %select_n3A_240 : i32
      %select_n3A_251 = arith.select %and3A_249, %add3A_250, %rem3A_241 : i32
      %eq3A_252 = arith.constant 1 : i32
      %eq3A_253 = arith.cmpi eq, %select_n3A_251, %eq3A_252 : i32
      %convert_element_type3A_254 = arith.extui %eq3A_253 : i1 to i32
      %cond3A_255 = arith.constant 0 : i32
      %cond3A_256 = arith.cmpi ne, %convert_element_type3A_254, %cond3A_255 : i32
      scf.if %cond3A_256 {
        %mul3A_278 = arith.constant 512 : i32
        %mul3A_279 = arith.muli %scan3A_213, %mul3A_278 : i32
        %add3A_280 = arith.constant 0 : i32
        %add3A_281 = arith.addi %mul3A_279, %add3A_280 : i32
        %dma_wait3A_282 = arith.constant 1 : i32
        %dma_wait3A_283 = arith.constant 0 : i32
        %dma_wait3A_284 = arith.constant 0 : i32
        %dma_wait3A_285 = tpu.memref_slice %arg6[%dma_wait3A_282, %dma_wait3A_283, %dma_wait3A_284] : memref<3x512x64xf32, #tpu.memory_space<vmem>> -> memref<1x512x64xf32, #tpu.memory_space<vmem>>
        %dma_wait3A_286 = tpu.memref_squeeze %dma_wait3A_285 : memref<1x512x64xf32, #tpu.memory_space<vmem>> -> memref<512x64xf32, #tpu.memory_space<vmem>>
        %dma_wait3A_287 = arith.constant 0 : i32
        %dma_wait3A_288 = arith.constant 0 : i32
        %dma_wait3A_289 = tpu.memref_slice %dma_wait3A_286[%dma_wait3A_287, %dma_wait3A_288] : memref<512x64xf32, #tpu.memory_space<vmem>> -> memref<128x64xf32, #tpu.memory_space<vmem>>
        %dma_wait3A_290 = tpu.memref_slice %arg5[%add3A_281] : memref<25600xi32, #tpu.memory_space<vmem>> -> memref<128xi32, #tpu.memory_space<vmem>>
        %dma_wait3A_291 = arith.constant 0 : i32
        %dma_wait3A_292 = arith.constant 0 : i32
        %dma_wait3A_293 = tpu.memref_slice %arg3[%dma_wait3A_291, %dma_wait3A_292] : memref<1048576x64xf32, #tpu.memory_space<hbm>> -> memref<1048576x64xf32, #tpu.memory_space<hbm>>
        tpu.wait_indirect_dma semaphore(%arg8 : memref<!tpu.dma_semaphore, #tpu.memory_space<semaphore_mem>>) src(%dma_wait3A_293 : memref<1048576x64xf32, #tpu.memory_space<hbm>>) dst(%dma_wait3A_289 : memref<128x64xf32, #tpu.memory_space<vmem>>)
        %mul3A_294 = arith.constant 512 : i32
        %mul3A_295 = arith.muli %scan3A_213, %mul3A_294 : i32
        %add3A_296 = arith.constant 128 : i32
        %add3A_297 = arith.addi %mul3A_295, %add3A_296 : i32
        %dma_wait3A_298 = arith.constant 1 : i32
        %dma_wait3A_299 = arith.constant 0 : i32
        %dma_wait3A_300 = arith.constant 0 : i32
        %dma_wait3A_301 = tpu.memref_slice %arg6[%dma_wait3A_298, %dma_wait3A_299, %dma_wait3A_300] : memref<3x512x64xf32, #tpu.memory_space<vmem>> -> memref<1x512x64xf32, #tpu.memory_space<vmem>>
        %dma_wait3A_302 = tpu.memref_squeeze %dma_wait3A_301 : memref<1x512x64xf32, #tpu.memory_space<vmem>> -> memref<512x64xf32, #tpu.memory_space<vmem>>
        %dma_wait3A_303 = arith.constant 128 : i32
        %dma_wait3A_304 = arith.constant 0 : i32
        %dma_wait3A_305 = tpu.memref_slice %dma_wait3A_302[%dma_wait3A_303, %dma_wait3A_304] : memref<512x64xf32, #tpu.memory_space<vmem>> -> memref<128x64xf32, #tpu.memory_space<vmem>>
        %dma_wait3A_306 = tpu.memref_slice %arg5[%add3A_297] : memref<25600xi32, #tpu.memory_space<vmem>> -> memref<128xi32, #tpu.memory_space<vmem>>
        %dma_wait3A_307 = arith.constant 0 : i32
        %dma_wait3A_308 = arith.constant 0 : i32
        %dma_wait3A_309 = tpu.memref_slice %arg3[%dma_wait3A_307, %dma_wait3A_308] : memref<1048576x64xf32, #tpu.memory_space<hbm>> -> memref<1048576x64xf32, #tpu.memory_space<hbm>>
        tpu.wait_indirect_dma semaphore(%arg8 : memref<!tpu.dma_semaphore, #tpu.memory_space<semaphore_mem>>) src(%dma_wait3A_309 : memref<1048576x64xf32, #tpu.memory_space<hbm>>) dst(%dma_wait3A_305 : memref<128x64xf32, #tpu.memory_space<vmem>>)
        %mul3A_310 = arith.constant 512 : i32
        %mul3A_311 = arith.muli %scan3A_213, %mul3A_310 : i32
        %add3A_312 = arith.constant 256 : i32
        %add3A_313 = arith.addi %mul3A_311, %add3A_312 : i32
        %dma_wait3A_314 = arith.constant 1 : i32
        %dma_wait3A_315 = arith.constant 0 : i32
        %dma_wait3A_316 = arith.constant 0 : i32
        %dma_wait3A_317 = tpu.memref_slice %arg6[%dma_wait3A_314, %dma_wait3A_315, %dma_wait3A_316] : memref<3x512x64xf32, #tpu.memory_space<vmem>> -> memref<1x512x64xf32, #tpu.memory_space<vmem>>
        %dma_wait3A_318 = tpu.memref_squeeze %dma_wait3A_317 : memref<1x512x64xf32, #tpu.memory_space<vmem>> -> memref<512x64xf32, #tpu.memory_space<vmem>>
        %dma_wait3A_319 = arith.constant 256 : i32
        %dma_wait3A_320 = arith.constant 0 : i32
        %dma_wait3A_321 = tpu.memref_slice %dma_wait3A_318[%dma_wait3A_319, %dma_wait3A_320] : memref<512x64xf32, #tpu.memory_space<vmem>> -> memref<128x64xf32, #tpu.memory_space<vmem>>
        %dma_wait3A_322 = tpu.memref_slice %arg5[%add3A_313] : memref<25600xi32, #tpu.memory_space<vmem>> -> memref<128xi32, #tpu.memory_space<vmem>>
        %dma_wait3A_323 = arith.constant 0 : i32
        %dma_wait3A_324 = arith.constant 0 : i32
        %dma_wait3A_325 = tpu.memref_slice %arg3[%dma_wait3A_323, %dma_wait3A_324] : memref<1048576x64xf32, #tpu.memory_space<hbm>> -> memref<1048576x64xf32, #tpu.memory_space<hbm>>
        tpu.wait_indirect_dma semaphore(%arg8 : memref<!tpu.dma_semaphore, #tpu.memory_space<semaphore_mem>>) src(%dma_wait3A_325 : memref<1048576x64xf32, #tpu.memory_space<hbm>>) dst(%dma_wait3A_321 : memref<128x64xf32, #tpu.memory_space<vmem>>)
        %mul3A_326 = arith.constant 512 : i32
        %mul3A_327 = arith.muli %scan3A_213, %mul3A_326 : i32
        %add3A_328 = arith.constant 384 : i32
        %add3A_329 = arith.addi %mul3A_327, %add3A_328 : i32
        %dma_wait3A_330 = arith.constant 1 : i32
        %dma_wait3A_331 = arith.constant 0 : i32
        %dma_wait3A_332 = arith.constant 0 : i32
        %dma_wait3A_333 = tpu.memref_slice %arg6[%dma_wait3A_330, %dma_wait3A_331, %dma_wait3A_332] : memref<3x512x64xf32, #tpu.memory_space<vmem>> -> memref<1x512x64xf32, #tpu.memory_space<vmem>>
        %dma_wait3A_334 = tpu.memref_squeeze %dma_wait3A_333 : memref<1x512x64xf32, #tpu.memory_space<vmem>> -> memref<512x64xf32, #tpu.memory_space<vmem>>
        %dma_wait3A_335 = arith.constant 384 : i32
        %dma_wait3A_336 = arith.constant 0 : i32
        %dma_wait3A_337 = tpu.memref_slice %dma_wait3A_334[%dma_wait3A_335, %dma_wait3A_336] : memref<512x64xf32, #tpu.memory_space<vmem>> -> memref<128x64xf32, #tpu.memory_space<vmem>>
        %dma_wait3A_338 = tpu.memref_slice %arg5[%add3A_329] : memref<25600xi32, #tpu.memory_space<vmem>> -> memref<128xi32, #tpu.memory_space<vmem>>
        %dma_wait3A_339 = arith.constant 0 : i32
        %dma_wait3A_340 = arith.constant 0 : i32
        %dma_wait3A_341 = tpu.memref_slice %arg3[%dma_wait3A_339, %dma_wait3A_340] : memref<1048576x64xf32, #tpu.memory_space<hbm>> -> memref<1048576x64xf32, #tpu.memory_space<hbm>>
        tpu.wait_indirect_dma semaphore(%arg8 : memref<!tpu.dma_semaphore, #tpu.memory_space<semaphore_mem>>) src(%dma_wait3A_341 : memref<1048576x64xf32, #tpu.memory_space<hbm>>) dst(%dma_wait3A_337 : memref<128x64xf32, #tpu.memory_space<vmem>>)
        %mul3A_342 = arith.constant 512 : i32
        %mul3A_343 = arith.muli %scan3A_213, %mul3A_342 : i32
        %add3A_344 = arith.addi %mul3A_2, %mul3A_343 : i32
        %dma_start3A_345 = arith.constant 1 : i32
        %dma_start3A_346 = arith.constant 0 : i32
        %dma_start3A_347 = arith.constant 0 : i32
        %dma_start3A_348 = tpu.memref_slice %arg6[%dma_start3A_345, %dma_start3A_346, %dma_start3A_347] : memref<3x512x64xf32, #tpu.memory_space<vmem>> -> memref<1x512x64xf32, #tpu.memory_space<vmem>>
        %dma_start3A_349 = tpu.memref_squeeze %dma_start3A_348 : memref<1x512x64xf32, #tpu.memory_space<vmem>> -> memref<512x64xf32, #tpu.memory_space<vmem>>
        %dma_start3A_350 = arith.constant 0 : i32
        %dma_start3A_351 = tpu.memref_slice %arg4[%add3A_344, %dma_start3A_350] : memref<819200x64xf32, #tpu.memory_space<hbm>> -> memref<512x64xf32, #tpu.memory_space<hbm>>
        %dma_start3A_352 = arith.constant 0 : i32
        %dma_start3A_353 = tpu.memref_slice %arg4[%add3A_344, %dma_start3A_352] : memref<819200x64xf32, #tpu.memory_space<hbm>> -> memref<512x64xf32, #tpu.memory_space<hbm>>
        %dma_start3A_354 = arith.constant 0 : i32
        %dma_start3A_355 = arith.constant 0 : i32
        %dma_start3A_356 = tpu.memref_slice %arg6[%dma_start3A_345, %dma_start3A_354, %dma_start3A_355] : memref<3x512x64xf32, #tpu.memory_space<vmem>> -> memref<1x512x64xf32, #tpu.memory_space<vmem>>
        %dma_start3A_357 = tpu.memref_squeeze %dma_start3A_356 : memref<1x512x64xf32, #tpu.memory_space<vmem>> -> memref<512x64xf32, #tpu.memory_space<vmem>>
        tpu.enqueue_dma source(%dma_start3A_357 : memref<512x64xf32, #tpu.memory_space<vmem>>) target(%dma_start3A_353 : memref<512x64xf32, #tpu.memory_space<hbm>>) target_semaphore(%arg11 : memref<!tpu.dma_semaphore, #tpu.memory_space<semaphore_mem>>)
      } else {
      }
      %jit3A_257 = arith.constant 3 : i32
      %eq3A_258 = arith.constant 0 : i32
      %eq3A_259 = arith.cmpi eq, %jit3A_257, %eq3A_258 : i32
      %jit3A_260 = arith.constant 1 : i32
      %select_n3A_261 = arith.select %eq3A_259, %jit3A_260, %jit3A_257 : i32
      %rem3A_262 = arith.remsi %scan3A_213, %select_n3A_261 : i32
      %ne3A_263 = arith.constant 0 : i32
      %ne3A_264 = arith.cmpi ne, %rem3A_262, %ne3A_263 : i32
      %lt3A_265 = arith.constant 0 : i32
      %lt3A_266 = arith.cmpi slt, %rem3A_262, %lt3A_265 : i32
      %lt3A_267 = arith.constant 0 : i32
      %lt3A_268 = arith.cmpi slt, %select_n3A_261, %lt3A_267 : i32
      %ne3A_269 = arith.xori %lt3A_266, %lt3A_268 : i1
      %and3A_270 = arith.andi %ne3A_269, %ne3A_264 : i1
      %add3A_271 = arith.addi %rem3A_262, %select_n3A_261 : i32
      %select_n3A_272 = arith.select %and3A_270, %add3A_271, %rem3A_262 : i32
      %eq3A_273 = arith.constant 2 : i32
      %eq3A_274 = arith.cmpi eq, %select_n3A_272, %eq3A_273 : i32
      %convert_element_type3A_275 = arith.extui %eq3A_274 : i1 to i32
      %cond3A_276 = arith.constant 0 : i32
      %cond3A_277 = arith.cmpi ne, %convert_element_type3A_275, %cond3A_276 : i32
      scf.if %cond3A_277 {
        %mul3A_278 = arith.constant 512 : i32
        %mul3A_279 = arith.muli %scan3A_213, %mul3A_278 : i32
        %add3A_280 = arith.constant 0 : i32
        %add3A_281 = arith.addi %mul3A_279, %add3A_280 : i32
        %dma_wait3A_282 = arith.constant 2 : i32
        %dma_wait3A_283 = arith.constant 0 : i32
        %dma_wait3A_284 = arith.constant 0 : i32
        %dma_wait3A_285 = tpu.memref_slice %arg6[%dma_wait3A_282, %dma_wait3A_283, %dma_wait3A_284] : memref<3x512x64xf32, #tpu.memory_space<vmem>> -> memref<1x512x64xf32, #tpu.memory_space<vmem>>
        %dma_wait3A_286 = tpu.memref_squeeze %dma_wait3A_285 : memref<1x512x64xf32, #tpu.memory_space<vmem>> -> memref<512x64xf32, #tpu.memory_space<vmem>>
        %dma_wait3A_287 = arith.constant 0 : i32
        %dma_wait3A_288 = arith.constant 0 : i32
        %dma_wait3A_289 = tpu.memref_slice %dma_wait3A_286[%dma_wait3A_287, %dma_wait3A_288] : memref<512x64xf32, #tpu.memory_space<vmem>> -> memref<128x64xf32, #tpu.memory_space<vmem>>
        %dma_wait3A_290 = tpu.memref_slice %arg5[%add3A_281] : memref<25600xi32, #tpu.memory_space<vmem>> -> memref<128xi32, #tpu.memory_space<vmem>>
        %dma_wait3A_291 = arith.constant 0 : i32
        %dma_wait3A_292 = arith.constant 0 : i32
        %dma_wait3A_293 = tpu.memref_slice %arg3[%dma_wait3A_291, %dma_wait3A_292] : memref<1048576x64xf32, #tpu.memory_space<hbm>> -> memref<1048576x64xf32, #tpu.memory_space<hbm>>
        tpu.wait_indirect_dma semaphore(%arg9 : memref<!tpu.dma_semaphore, #tpu.memory_space<semaphore_mem>>) src(%dma_wait3A_293 : memref<1048576x64xf32, #tpu.memory_space<hbm>>) dst(%dma_wait3A_289 : memref<128x64xf32, #tpu.memory_space<vmem>>)
        %mul3A_294 = arith.constant 512 : i32
        %mul3A_295 = arith.muli %scan3A_213, %mul3A_294 : i32
        %add3A_296 = arith.constant 128 : i32
        %add3A_297 = arith.addi %mul3A_295, %add3A_296 : i32
        %dma_wait3A_298 = arith.constant 2 : i32
        %dma_wait3A_299 = arith.constant 0 : i32
        %dma_wait3A_300 = arith.constant 0 : i32
        %dma_wait3A_301 = tpu.memref_slice %arg6[%dma_wait3A_298, %dma_wait3A_299, %dma_wait3A_300] : memref<3x512x64xf32, #tpu.memory_space<vmem>> -> memref<1x512x64xf32, #tpu.memory_space<vmem>>
        %dma_wait3A_302 = tpu.memref_squeeze %dma_wait3A_301 : memref<1x512x64xf32, #tpu.memory_space<vmem>> -> memref<512x64xf32, #tpu.memory_space<vmem>>
        %dma_wait3A_303 = arith.constant 128 : i32
        %dma_wait3A_304 = arith.constant 0 : i32
        %dma_wait3A_305 = tpu.memref_slice %dma_wait3A_302[%dma_wait3A_303, %dma_wait3A_304] : memref<512x64xf32, #tpu.memory_space<vmem>> -> memref<128x64xf32, #tpu.memory_space<vmem>>
        %dma_wait3A_306 = tpu.memref_slice %arg5[%add3A_297] : memref<25600xi32, #tpu.memory_space<vmem>> -> memref<128xi32, #tpu.memory_space<vmem>>
        %dma_wait3A_307 = arith.constant 0 : i32
        %dma_wait3A_308 = arith.constant 0 : i32
        %dma_wait3A_309 = tpu.memref_slice %arg3[%dma_wait3A_307, %dma_wait3A_308] : memref<1048576x64xf32, #tpu.memory_space<hbm>> -> memref<1048576x64xf32, #tpu.memory_space<hbm>>
        tpu.wait_indirect_dma semaphore(%arg9 : memref<!tpu.dma_semaphore, #tpu.memory_space<semaphore_mem>>) src(%dma_wait3A_309 : memref<1048576x64xf32, #tpu.memory_space<hbm>>) dst(%dma_wait3A_305 : memref<128x64xf32, #tpu.memory_space<vmem>>)
        %mul3A_310 = arith.constant 512 : i32
        %mul3A_311 = arith.muli %scan3A_213, %mul3A_310 : i32
        %add3A_312 = arith.constant 256 : i32
        %add3A_313 = arith.addi %mul3A_311, %add3A_312 : i32
        %dma_wait3A_314 = arith.constant 2 : i32
        %dma_wait3A_315 = arith.constant 0 : i32
        %dma_wait3A_316 = arith.constant 0 : i32
        %dma_wait3A_317 = tpu.memref_slice %arg6[%dma_wait3A_314, %dma_wait3A_315, %dma_wait3A_316] : memref<3x512x64xf32, #tpu.memory_space<vmem>> -> memref<1x512x64xf32, #tpu.memory_space<vmem>>
        %dma_wait3A_318 = tpu.memref_squeeze %dma_wait3A_317 : memref<1x512x64xf32, #tpu.memory_space<vmem>> -> memref<512x64xf32, #tpu.memory_space<vmem>>
        %dma_wait3A_319 = arith.constant 256 : i32
        %dma_wait3A_320 = arith.constant 0 : i32
        %dma_wait3A_321 = tpu.memref_slice %dma_wait3A_318[%dma_wait3A_319, %dma_wait3A_320] : memref<512x64xf32, #tpu.memory_space<vmem>> -> memref<128x64xf32, #tpu.memory_space<vmem>>
        %dma_wait3A_322 = tpu.memref_slice %arg5[%add3A_313] : memref<25600xi32, #tpu.memory_space<vmem>> -> memref<128xi32, #tpu.memory_space<vmem>>
        %dma_wait3A_323 = arith.constant 0 : i32
        %dma_wait3A_324 = arith.constant 0 : i32
        %dma_wait3A_325 = tpu.memref_slice %arg3[%dma_wait3A_323, %dma_wait3A_324] : memref<1048576x64xf32, #tpu.memory_space<hbm>> -> memref<1048576x64xf32, #tpu.memory_space<hbm>>
        tpu.wait_indirect_dma semaphore(%arg9 : memref<!tpu.dma_semaphore, #tpu.memory_space<semaphore_mem>>) src(%dma_wait3A_325 : memref<1048576x64xf32, #tpu.memory_space<hbm>>) dst(%dma_wait3A_321 : memref<128x64xf32, #tpu.memory_space<vmem>>)
        %mul3A_326 = arith.constant 512 : i32
        %mul3A_327 = arith.muli %scan3A_213, %mul3A_326 : i32
        %add3A_328 = arith.constant 384 : i32
        %add3A_329 = arith.addi %mul3A_327, %add3A_328 : i32
        %dma_wait3A_330 = arith.constant 2 : i32
        %dma_wait3A_331 = arith.constant 0 : i32
        %dma_wait3A_332 = arith.constant 0 : i32
        %dma_wait3A_333 = tpu.memref_slice %arg6[%dma_wait3A_330, %dma_wait3A_331, %dma_wait3A_332] : memref<3x512x64xf32, #tpu.memory_space<vmem>> -> memref<1x512x64xf32, #tpu.memory_space<vmem>>
        %dma_wait3A_334 = tpu.memref_squeeze %dma_wait3A_333 : memref<1x512x64xf32, #tpu.memory_space<vmem>> -> memref<512x64xf32, #tpu.memory_space<vmem>>
        %dma_wait3A_335 = arith.constant 384 : i32
        %dma_wait3A_336 = arith.constant 0 : i32
        %dma_wait3A_337 = tpu.memref_slice %dma_wait3A_334[%dma_wait3A_335, %dma_wait3A_336] : memref<512x64xf32, #tpu.memory_space<vmem>> -> memref<128x64xf32, #tpu.memory_space<vmem>>
        %dma_wait3A_338 = tpu.memref_slice %arg5[%add3A_329] : memref<25600xi32, #tpu.memory_space<vmem>> -> memref<128xi32, #tpu.memory_space<vmem>>
        %dma_wait3A_339 = arith.constant 0 : i32
        %dma_wait3A_340 = arith.constant 0 : i32
        %dma_wait3A_341 = tpu.memref_slice %arg3[%dma_wait3A_339, %dma_wait3A_340] : memref<1048576x64xf32, #tpu.memory_space<hbm>> -> memref<1048576x64xf32, #tpu.memory_space<hbm>>
        tpu.wait_indirect_dma semaphore(%arg9 : memref<!tpu.dma_semaphore, #tpu.memory_space<semaphore_mem>>) src(%dma_wait3A_341 : memref<1048576x64xf32, #tpu.memory_space<hbm>>) dst(%dma_wait3A_337 : memref<128x64xf32, #tpu.memory_space<vmem>>)
        %mul3A_342 = arith.constant 512 : i32
        %mul3A_343 = arith.muli %scan3A_213, %mul3A_342 : i32
        %add3A_344 = arith.addi %mul3A_2, %mul3A_343 : i32
        %dma_start3A_345 = arith.constant 2 : i32
        %dma_start3A_346 = arith.constant 0 : i32
        %dma_start3A_347 = arith.constant 0 : i32
        %dma_start3A_348 = tpu.memref_slice %arg6[%dma_start3A_345, %dma_start3A_346, %dma_start3A_347] : memref<3x512x64xf32, #tpu.memory_space<vmem>> -> memref<1x512x64xf32, #tpu.memory_space<vmem>>
        %dma_start3A_349 = tpu.memref_squeeze %dma_start3A_348 : memref<1x512x64xf32, #tpu.memory_space<vmem>> -> memref<512x64xf32, #tpu.memory_space<vmem>>
        %dma_start3A_350 = arith.constant 0 : i32
        %dma_start3A_351 = tpu.memref_slice %arg4[%add3A_344, %dma_start3A_350] : memref<819200x64xf32, #tpu.memory_space<hbm>> -> memref<512x64xf32, #tpu.memory_space<hbm>>
        %dma_start3A_352 = arith.constant 0 : i32
        %dma_start3A_353 = tpu.memref_slice %arg4[%add3A_344, %dma_start3A_352] : memref<819200x64xf32, #tpu.memory_space<hbm>> -> memref<512x64xf32, #tpu.memory_space<hbm>>
        %dma_start3A_354 = arith.constant 0 : i32
        %dma_start3A_355 = arith.constant 0 : i32
        %dma_start3A_356 = tpu.memref_slice %arg6[%dma_start3A_345, %dma_start3A_354, %dma_start3A_355] : memref<3x512x64xf32, #tpu.memory_space<vmem>> -> memref<1x512x64xf32, #tpu.memory_space<vmem>>
        %dma_start3A_357 = tpu.memref_squeeze %dma_start3A_356 : memref<1x512x64xf32, #tpu.memory_space<vmem>> -> memref<512x64xf32, #tpu.memory_space<vmem>>
        tpu.enqueue_dma source(%dma_start3A_357 : memref<512x64xf32, #tpu.memory_space<vmem>>) target(%dma_start3A_353 : memref<512x64xf32, #tpu.memory_space<hbm>>) target_semaphore(%arg12 : memref<!tpu.dma_semaphore, #tpu.memory_space<semaphore_mem>>)
      } else {
      }
    }
    %scan3A_168 = arith.constant 50 : i32
    %add3A_169 = arith.constant 24064 : i32
    %add3A_170 = arith.addi %mul3A_2, %add3A_169 : i32
    %dma_wait3A = arith.constant 2 : i32
    %dma_wait3A_171 = arith.constant 0 : i32
    %dma_wait3A_172 = arith.constant 0 : i32
    %dma_wait3A_173 = tpu.memref_slice %arg6[%dma_wait3A, %dma_wait3A_171, %dma_wait3A_172] : memref<3x512x64xf32, #tpu.memory_space<vmem>> -> memref<1x512x64xf32, #tpu.memory_space<vmem>>
    %dma_wait3A_174 = tpu.memref_squeeze %dma_wait3A_173 : memref<1x512x64xf32, #tpu.memory_space<vmem>> -> memref<512x64xf32, #tpu.memory_space<vmem>>
    %dma_wait3A_175 = arith.constant 0 : i32
    %dma_wait3A_176 = tpu.memref_slice %arg4[%add3A_170, %dma_wait3A_175] : memref<819200x64xf32, #tpu.memory_space<hbm>> -> memref<512x64xf32, #tpu.memory_space<hbm>>
    %dma_wait3A_177 = arith.constant 0 : i32
    %dma_wait3A_178 = tpu.memref_slice %arg4[%add3A_170, %dma_wait3A_177] : memref<819200x64xf32, #tpu.memory_space<hbm>> -> memref<512x64xf32, #tpu.memory_space<hbm>>
    %dma_wait3A_179 = arith.constant 0 : i32
    %dma_wait3A_180 = arith.constant 0 : i32
    %dma_wait3A_181 = tpu.memref_slice %arg6[%dma_wait3A, %dma_wait3A_179, %dma_wait3A_180] : memref<3x512x64xf32, #tpu.memory_space<vmem>> -> memref<1x512x64xf32, #tpu.memory_space<vmem>>
    %dma_wait3A_182 = tpu.memref_squeeze %dma_wait3A_181 : memref<1x512x64xf32, #tpu.memory_space<vmem>> -> memref<512x64xf32, #tpu.memory_space<vmem>>
    tpu.wait_dma2 semaphore(%arg12 : memref<!tpu.dma_semaphore, #tpu.memory_space<semaphore_mem>>) src(%dma_wait3A_182 : memref<512x64xf32, #tpu.memory_space<vmem>>) dst(%dma_wait3A_178 : memref<512x64xf32, #tpu.memory_space<hbm>>)
    %add3A_183 = arith.constant 24576 : i32
    %add3A_184 = arith.addi %mul3A_2, %add3A_183 : i32
    %dma_wait3A_185 = arith.constant 0 : i32
    %dma_wait3A_186 = arith.constant 0 : i32
    %dma_wait3A_187 = arith.constant 0 : i32
    %dma_wait3A_188 = tpu.memref_slice %arg6[%dma_wait3A_185, %dma_wait3A_186, %dma_wait3A_187] : memref<3x512x64xf32, #tpu.memory_space<vmem>> -> memref<1x512x64xf32, #tpu.memory_space<vmem>>
    %dma_wait3A_189 = tpu.memref_squeeze %dma_wait3A_188 : memref<1x512x64xf32, #tpu.memory_space<vmem>> -> memref<512x64xf32, #tpu.memory_space<vmem>>
    %dma_wait3A_190 = arith.constant 0 : i32
    %dma_wait3A_191 = tpu.memref_slice %arg4[%add3A_184, %dma_wait3A_190] : memref<819200x64xf32, #tpu.memory_space<hbm>> -> memref<512x64xf32, #tpu.memory_space<hbm>>
    %dma_wait3A_192 = arith.constant 0 : i32
    %dma_wait3A_193 = tpu.memref_slice %arg4[%add3A_184, %dma_wait3A_192] : memref<819200x64xf32, #tpu.memory_space<hbm>> -> memref<512x64xf32, #tpu.memory_space<hbm>>
    %dma_wait3A_194 = arith.constant 0 : i32
    %dma_wait3A_195 = arith.constant 0 : i32
    %dma_wait3A_196 = tpu.memref_slice %arg6[%dma_wait3A_185, %dma_wait3A_194, %dma_wait3A_195] : memref<3x512x64xf32, #tpu.memory_space<vmem>> -> memref<1x512x64xf32, #tpu.memory_space<vmem>>
    %dma_wait3A_197 = tpu.memref_squeeze %dma_wait3A_196 : memref<1x512x64xf32, #tpu.memory_space<vmem>> -> memref<512x64xf32, #tpu.memory_space<vmem>>
    tpu.wait_dma2 semaphore(%arg10 : memref<!tpu.dma_semaphore, #tpu.memory_space<semaphore_mem>>) src(%dma_wait3A_197 : memref<512x64xf32, #tpu.memory_space<vmem>>) dst(%dma_wait3A_193 : memref<512x64xf32, #tpu.memory_space<hbm>>)
    %add3A_198 = arith.constant 25088 : i32
    %add3A_199 = arith.addi %mul3A_2, %add3A_198 : i32
    %dma_wait3A_200 = arith.constant 1 : i32
    %dma_wait3A_201 = arith.constant 0 : i32
    %dma_wait3A_202 = arith.constant 0 : i32
    %dma_wait3A_203 = tpu.memref_slice %arg6[%dma_wait3A_200, %dma_wait3A_201, %dma_wait3A_202] : memref<3x512x64xf32, #tpu.memory_space<vmem>> -> memref<1x512x64xf32, #tpu.memory_space<vmem>>
    %dma_wait3A_204 = tpu.memref_squeeze %dma_wait3A_203 : memref<1x512x64xf32, #tpu.memory_space<vmem>> -> memref<512x64xf32, #tpu.memory_space<vmem>>
    %dma_wait3A_205 = arith.constant 0 : i32
    %dma_wait3A_206 = tpu.memref_slice %arg4[%add3A_199, %dma_wait3A_205] : memref<819200x64xf32, #tpu.memory_space<hbm>> -> memref<512x64xf32, #tpu.memory_space<hbm>>
    %dma_wait3A_207 = arith.constant 0 : i32
    %dma_wait3A_208 = tpu.memref_slice %arg4[%add3A_199, %dma_wait3A_207] : memref<819200x64xf32, #tpu.memory_space<hbm>> -> memref<512x64xf32, #tpu.memory_space<hbm>>
    %dma_wait3A_209 = arith.constant 0 : i32
    %dma_wait3A_210 = arith.constant 0 : i32
    %dma_wait3A_211 = tpu.memref_slice %arg6[%dma_wait3A_200, %dma_wait3A_209, %dma_wait3A_210] : memref<3x512x64xf32, #tpu.memory_space<vmem>> -> memref<1x512x64xf32, #tpu.memory_space<vmem>>
    %dma_wait3A_212 = tpu.memref_squeeze %dma_wait3A_211 : memref<1x512x64xf32, #tpu.memory_space<vmem>> -> memref<512x64xf32, #tpu.memory_space<vmem>>
    tpu.wait_dma2 semaphore(%arg11 : memref<!tpu.dma_semaphore, #tpu.memory_space<semaphore_mem>>) src(%dma_wait3A_212 : memref<512x64xf32, #tpu.memory_space<vmem>>) dst(%dma_wait3A_208 : memref<512x64xf32, #tpu.memory_space<hbm>>)
    return
  }
}

</mosaic_0001>

<sc_bundles>
// kernel: kernel.3.cloned.1.call-start
scs
__scs_entry_jumppad:
0x0: {  	(pc) =	sbr.rel $0x88, $3  }
0x1: {  	(tag) =	ssettag $0x0;
	lr =	simm.s32 $0x1  }
0x2: {  	[smem:$0x3F9F] =	sst lr;
	_ =	strace $0xD0000000  }
0x3: {  	_ = 	snop  }
0x4: {  	_ = 	snop  }
0x5: {  	_ = 	snop  }
0x6: {  	_ = 	snop  }
0x7: {  	_ = 	snop  }
__scs_overlays_trampoline_lowered:
0x8: {  	[smem:$0x3FAE] =	sst s0  }
0x9: {  	[smem:$0x3FAF] =	sst s1  }
0xa: {  	[smem:$0x3FB0] =	sst s2  }
0xb: {  	[smem:$0x3FB1] =	sst s3  }
0xc: {  	[smem:$0x3FB2] =	sst s4  }
0xd: {  	[smem:$0x3FB3] =	sst s5  }
0xe: {  	[smem:$0x3FB4] =	sst s6  }
0xf: {  	[smem:$0x3FB5] =	sst s7  }
0x10: {  	[smem:$0x3FB6] =	sst s8  }
0x11: {  	[smem:$0x3FB7] =	sst s9;
	s0 =	simm.s32 @!p0 $0x0  }
0x12: {  	s1 =	sld [smem:$0x3F9D];
	s0 =	simm.s32 @p0 $0x1  }
0x13: {  	[smem:$0x3FB8] =	sst s0;
	s0 =	simm.s32 @!p1 $0x0  }
0x14: {  	s2 =	sld [smem:$0x3F9C];
	s0 =	simm.s32 @p1 $0x1  }
0x15: {  	[smem:$0x3FB9] =	sst s0;
	s0 =	simm.s32 @!p2 $0x0  }
0x16: {  	s3 =	sld [smem:$0x3FDB];
	s0 =	simm.s32 @p2 $0x1  }
0x17: {  	s4 =	simm.s32 $0x1BF5;
	[smem:$0x3FBB] =	sst s0  }
0x18: {  	s0 =	sld [smem:$0x3F9E];
	_ =	swait.ge [sflag:s4], $0x0  }
0x19: {  	s7 =	sld [smem:$0x3F9F]  }
0x1a: {  	s8 =	sadd.s32 $0xFFFFE003, lr  }
0x1b: {  	s9 =	sadd.s32 $0xFFFFFEF7, lr;
	s5 =	simm.s32 $0xFFFFFFFF;
	p2 =	slt.u32 s8, $0xFFFFF086  }
0x1c: {  	p1 =	slt.u32 s9, $0xF7A;
	s5 =	simm.s32 @!p2 $0x0  }
0x1d: {  	s5 =	simm.s32 @p1 $0x1;
	p0 =	seq.s32 s7, s2  }
0x1e: {  	s7 =	smul.u32 @!p0 $0xF7A, s2;
	p2 =	seq.s32 @!p0 s5, $0x0  }
0x1f: {  	s9 =	smul.u32 $0xF7A, s1;
	s8 =	simm.s32 @!p0 $0x1BF5;
	p2 =	por !p2, p0  }
0x20: {  	[sflag:s8] =	ssyncset.s32 @!p0 $0xFFFFF086;
	s6 =	sadd.s32 @!p0 s3, s7;
	s7 =	simm.s32 @!p0 $0x108  }
0x21: {  	s3 =	sadd.s32 s3, s9;
	s6 =	sadd.s32 @!p0 $0x88, s6;
	s7 =	simm.s32 @p2 $0x1082  }
0x22: {  	[simem:s7], [sflag:s8] =	dma.local @!p0 [hbm:s6], $0xF7A  }
0x23: {  	s9 =	sor.u32 $0xD0000000, s2;
	s6 =	simm.s32 $0x108;
	_ =	swait.ge @!p0 [sflag:s8], $0x0  }
0x24: {  	s3 =	sadd.s32 $0x88, s3;
	s6 =	simm.s32 @!p1 $0x1082;
	[sflag:s4] =	ssyncset.s32 $0xFFFFF086  }
0x25: {  	[simem:s6], [sflag:s4] =	dma.local [hbm:s3], $0xF7A  }
0x26: {  	[smem:$0x3F9F] =	sst s1;
	(tag) =	ssettag s2;
	_ =	strace s9  }
0x27: {  	s1 =	sld [smem:$0x3FAF]  }
0x28: {  	s2 =	sld [smem:$0x3FB0]  }
0x29: {  	s4 =	sld [smem:$0x3FB2]  }
0x2a: {  	p0 =	seq.s32 s5, $0x0;
	s5 =	sld [smem:$0x3FB3]  }
0x2b: {  	s6 =	sld [smem:$0x3FB4]  }
0x2c: {  	s7 =	sld [smem:$0x3FB5]  }
0x2d: {  	s3 =	simm.s32 $0x108;
	s8 =	sld [smem:$0x3FB6]  }
0x2e: {  	s3 =	simm.s32 @!p0 $0x1082;
	s9 =	sld [smem:$0x3FB7]  }
0x2f: {  	lr =	sadd.s32 s0, s3;
	s0 =	sld [smem:$0x3FAE]  }
0x30: {  	s3 =	sld [smem:$0x3FB1]  }
0x31: {  	[smem:$0x3FBA] =	sst s10  }
0x32: {  	s10 =	sld [smem:$0x3FB8];
	_ =	sdelay $0x3  }
0x33: {  	p0 =	seq.s32 s10, $0x1;
	s10 =	sld [smem:$0x3FBA];
	_ =	sdelay $0x3  }
0x34: {  	[smem:$0x3FBA] =	sst s10  }
0x35: {  	s10 =	sld [smem:$0x3FB9];
	_ =	sdelay $0x3  }
0x36: {  	p1 =	seq.s32 s10, $0x1;
	s10 =	sld [smem:$0x3FBA];
	_ =	sdelay $0x3  }
0x37: {  	[smem:$0x3FBA] =	sst s10  }
0x38: {  	s10 =	sld [smem:$0x3FBB]  }
0x39: {  	_ = 	snop;
	(pc) =	sbr.ind lr, $3  }
0x3a: {  	_ = 	snop  }
0x3b: {  	_ = 	snop  }
0x3c: {  	p2 =	seq.s32 s10, $0x1;
	s10 =	sld [smem:$0x3FBA]  }
0x3d: {  	_ =	shalt  }
0x3e: {  	_ =	shalt  }
0x3f: {  	_ =	shalt  }
0x40: {  	_ =	shalt  }
0x41: {  	_ =	shalt  }
0x42: {  	_ =	shalt  }
0x43: {  	_ =	shalt  }
0x44: {  	_ =	shalt  }
0x45: {  	_ =	shalt  }
0x46: {  	_ =	shalt  }
0x47: {  	_ =	shalt  }
0x48: {  	_ =	shalt  }
0x49: {  	_ =	shalt  }
0x4a: {  	_ =	shalt  }
0x4b: {  	_ =	shalt  }
0x4c: {  	_ =	shalt  }
0x4d: {  	_ =	shalt  }
0x4e: {  	_ =	shalt  }
0x4f: {  	_ =	shalt  }
0x50: {  	_ =	shalt  }
0x51: {  	_ =	shalt  }
0x52: {  	_ =	shalt  }
0x53: {  	_ =	shalt  }
0x54: {  	_ =	shalt  }
0x55: {  	_ =	shalt  }
0x56: {  	_ =	shalt  }
0x57: {  	_ =	shalt  }
0x58: {  	_ =	shalt  }
0x59: {  	_ =	shalt  }
0x5a: {  	_ =	shalt  }
0x5b: {  	_ =	shalt  }
0x5c: {  	_ =	shalt  }
0x5d: {  	_ =	shalt  }
0x5e: {  	_ =	shalt  }
0x5f: {  	_ =	shalt  }
0x60: {  	_ =	shalt  }
0x61: {  	_ =	shalt  }
0x62: {  	_ =	shalt  }
0x63: {  	_ =	shalt  }
0x64: {  	_ =	shalt  }
0x65: {  	_ =	shalt  }
0x66: {  	_ =	shalt  }
0x67: {  	_ =	shalt  }
0x68: {  	_ =	shalt  }
0x69: {  	_ =	shalt  }
0x6a: {  	_ =	shalt  }
0x6b: {  	_ =	shalt  }
0x6c: {  	_ =	shalt  }
0x6d: {  	_ =	shalt  }
0x6e: {  	_ =	shalt  }
0x6f: {  	_ =	shalt  }
0x70: {  	_ =	shalt  }
0x71: {  	_ =	shalt  }
0x72: {  	_ =	shalt  }
0x73: {  	_ =	shalt  }
0x74: {  	_ =	shalt  }
0x75: {  	_ =	shalt  }
0x76: {  	_ =	shalt  }
0x77: {  	_ =	shalt  }
0x78: {  	_ =	shalt  }
0x79: {  	_ =	shalt  }
0x7a: {  	_ =	shalt  }
0x7b: {  	_ =	shalt  }
0x7c: {  	_ =	shalt  }
0x7d: {  	_ =	shalt  }
0x7e: {  	_ =	shalt  }
0x7f: {  	_ =	shalt  }
0x80: {  	_ =	shalt  }
0x81: {  	_ =	shalt  }
0x82: {  	_ =	shalt  }
0x83: {  	_ =	shalt  }
0x84: {  	_ =	shalt  }
0x85: {  	_ =	shalt  }
0x86: {  	_ =	shalt  }
0x87: {  	_ =	shalt  }
.Lfunc_end0:
.L_simem_size_0:
called_computation.1_lowered:
.L_overlay_start_0:
0x88: {  	s2 =	sld [smem:$0x3FD9]  }
0x89: {  	s3 =	sld [smem:$0x3FFE];
	_ =	sdelay $0x1  }
0x8a: {  	s1 =	srdreg.scid  }
0x8b: {  	s0 =	sand.u32 $0x1, s1  }
0x8c: {  	s17 =	sshll.u32 s0, $0xA;
	s2 =	sadd.s32 s3, s2  }
0x8d: {  	s2 =	sadd.s32 s2, s17  }
0x8e: {  	[smem:$0x3FC6] =	sst s2  }
0x8f: {  	_ = 	snop  }
0x90: {  	s2 =	sld [smem:$0x3FD0];
	(tm) =	ssettm $0x1  }
0x91: {  	s18 =	sld [smem:$0x3FFB];
	_ =	sdelay $0x3  }
0x92: {  	_ =	strace s18  }
0x93: {  	s3 =	sld [smem:$0x3FFC];
	_ =	sdelay $0x3  }
0x94: {  	_ =	strace s3  }
0x95: {  	s3 =	sld [smem:$0x3FFD];
	_ =	sdelay $0x3  }
0x96: {  	_ =	strace s3  }
0x97: {  	_ =	strace $0x8FFFFFFF  }
0x98: {  	s19 =	sld [smem:$0x3FDB];
	_ =	sdelay $0x1  }
0x99: {  	s4 =	simm.s32 $_scs_section_size  }
0x9a: {  	s5 =	simm.s32 $_size__tile_overlayer_lowered;
	s6 =	simm.s32 $_tile_overlayer_lowered  }
0x9b: {  	s22 =	simm.s32 $0x1BFF;
	s21 =	sshll.u32 s6, $0x1;
	s3 =	sadd.s32 s4, s19  }
0x9c: {  	s7 =	simm.s32 $0x0;
	s20 =	sshll.u32 s5, $0x1;
	s5 =	sadd.s32 s21, s3  }
0x9d: {  	[timem:s7], [sflag:s22] =	dma.local [hbm:s5], s20  }
0x9e: {  	_ =	swait.ge [sflag:s22], s20  }
0x9f: {  	s4 =	ssub.s32 $0x0, s20;
	[sflag:s22] =	ssyncset.done $0x0  }
0xa0: {  	[sflag:s22] =	ssyncadd.s32 s4;
	_ =	sdelay $0x1  }
0xa1: {  	s23 =	simm.s32 $0x1B8B  }
0xa2: {  	_ =	swait.ge [sflag:s23], $0x1  }
0xa3: {  	[sflag:s23] =	ssyncset.done $0x0  }
0xa4: {  	s25 =	simm.s32 $0x1B8E;
	s24 =	sld [smem:$0x3FFE];
	[sflag:s23] =	ssyncadd.s32 $0xFFFFFFFF  }
0xa5: {  	s26 =	simm.s32 $execute0_lowered;
	[smem:$0x3FD2] =	sst s25  }
0xa6: {  	s5 =	sshll.u32 s26, $0x1;
	_ =	strace $0x80000046;
	[dreg:$0x1] =	wrdreg $0xFFFFFFFF  }
0xa7: {  	s28 =	simm.s32 $_size_execute0_lowered;
	s3 =	sadd.s32 s3, s5;
	[dreg:$0x0] =	wrdreg $0x0  }
0xa8: {  	s5 =	sshll.u32 s28, $0x1;
	[dreg:$0x2] =	wrdreg s3  }
0xa9: {  	[dreg:$0x3] =	wrdreg s5  }
0xaa: {  	[dreg:$0x4] =	wrdreg $0xC0  }
0xab: {  	_ =	task [dreg:s7], $0x5FFFF  }
0xac: {  	[dreg:$0x1] =	wrdreg $0xFFFFFFFF  }
0xad: {  	[dreg:$0x0] =	wrdreg $0x60  }
0xae: {  	[dreg:$0x2] =	wrdreg s24  }
0xaf: {  	[dreg:$0x3] =	wrdreg s2  }
0xb0: {  	[dreg:$0x4] =	wrdreg $0x9  }
0xb1: {  	_ =	task.clear_ibuf [dreg:s7], $0x5FFFF;
	_ =	strace $0x90000046  }
0xb2: {  	s29 =	simm.s32 $0x9;
	_ =	strace $0x80000048  }
0xb3: {  	_ =	swait.ge [sflag:s29], $0x1  }
0xb4: {  	[sflag:s29] =	ssyncadd.s32 $0xFFFFFFFF  }
0xb5: {  	_ =	strace $0x90000048  }
0xb6: {  	_ =	sfence  }
0xb7: {  	s30 =	sld [smem:$0x0];
	_ =	sdelay $0x2  }
0xb8: {  	s31 =	sshll.u32 s1, $0xD;
	s1 =	sshrl.u32 s1, $0x2  }
0xb9: {  	s3 =	sand.u32 $0x4000, s31;
	s1 =	sadd.s32 s1, s30  }
0xba: {  	s0 =	sor.u32 s3, s0;
	s1 =	sshll.u32 s1, $0x11  }
0xbb: {  	s0 =	sor.u32 s1, s0  }
0xbc: {  	s0 =	sadd.s32 $0x8F2B, s0  }
0xbd: {  	[sflag:s0] =	ssyncadd.remote.s32 $0x1  }
0xbe: {  	_ =	sfence.sel $0xFFFF  }
0xbf: {  	[dreg:$0x0] =	wrdreg $0xFFFFFFFF;
	(pc) =	sbr.abs _section_cstart, $3  }
0xc0: {  	[dreg:$0x1] =	wrdreg $0xFFFFFFFF  }
0xc1: {  	_ =	task.clear_ibuf [dreg:s7], $0x2FFFF;
	_ =	strace $0x9FFFFFFF  }
0xc2: {  	(tm) =	ssettm $0x7FFFFFFF  }
0xc3: {  	_ =	shalt  }
tec
execute0_lowered:
.L_overlay_start_1:
0x0: {  	(tag) =	ssettag $0x1  }
0x1: {  	s0 =	srdreg.scid  }
0x2: {  	s5 =	stileid.u32;
	s3 =	rddreg [dreg:$0x0]  }
0x3: {  	s4 =	rddreg [dreg:$0x1];
	s2 =	simm.s32 $0x0;
	s8 =	simm.s32 $0x80  }
0x4: {  	s9 =	simm.s32 $0x6400;
	s10 =	simm.s32 $0x8400;
	s12 =	simm.s32 $0xA400  }
0x5: {  	s14 =	simm.s32 $0xC400;
	s16 =	simm.s32 $0xE400;
	s18 =	simm.s32 $0x10400  }
0x6: {  	s20 =	simm.s32 $0x12400;
	s22 =	simm.s32 $0x14400;
	s24 =	simm.s32 $0x16400  }
0x7: {  	s26 =	simm.s32 $0x18400;
	s29 =	simm.s32 $0x1A400;
	s31 =	simm.s32 $0x1C400  }
0x8: {  	s11 =	simm.s32 $0x4;
	s13 =	simm.s32 $0x3;
	s15 =	simm.s32 $0x2  }
0x9: {  	s17 =	simm.s32 $0x1;
	s19 =	simm.s32 $0x0;
	s0 =	sand.u32 $0x1, s0  }
0xa: {  	s1 =	sshll.u32 s5, $0x1;
	s5 =	smul.u32 $0x320000, s5;
	[smem:$0x7FF] =	sst s2  }
0xb: {  	s1 =	sor.u32 s0, s1;
	s6 =	smul.u32 $0x190000, s0;
	s0 =	ssub.s32 $0x2, s0  }
0xc: {  	_ =	strace $0x80000047;
	s1 =	smul.u32 $0xC80, s1;
	s7 =	sshrl.u32 s0, $0x1  }
.Ltmp0:
0xd: {  	s5 =	sadd.s32 s6, s5;
	s0 =	ssub.s32 s0, s7;
	(pc) =	sbr.rel .LBB2_1-.Ltmp0, $4  }
0xe: {  	s7 =	simm.s32 $0x7;
	s1 =	sadd.s32 s1, s3;
	s0 =	smax.u32 s0, $0x1  }
0xf: {  	s28 =	sshrl.u32 s5, $0x3;
	s1 =	sadd.s32 $0xA00, s1;
	[dreg:$0x4] =	wrdreg s0  }
0x10: {  	s3 =	sadd.s32 $0x1000A00, s3;
	s30 =	sadd.s32 s28, s4;
	[dreg:$0x3] =	wrdreg s1  }
0x11: {  	s0 =	simm.s32 $0x5;
	[dreg:$0x5] =	wrdreg s30;
	s1 =	simm.s32 $0x6  }
.LBB2_12:
0x12: {  	_ =	swait.ge [sflag:s1], $0x8000  }
0x13: {  	[sflag:s1] =	ssyncset.done $0x0  }
0x14: {  	[sflag:s1] =	ssyncadd.s32 $0xFFFF8000  }
0x15: {  	_ =	swait.ge [sflag:s11], $0x8000  }
0x16: {  	[sflag:s11] =	ssyncset.done $0x0  }
0x17: {  	[sflag:s11] =	ssyncadd.s32 $0xFFFF8000  }
0x18: {  	_ =	swait.ge [sflag:s0], $0x8000  }
0x19: {  	s19 =	sadd.s32 $0x1, s19;
	s4 =	rddreg [dreg:$0x4]  }
0x1a: {  	p0 =	sne.s32 s19, s4  }
.Ltmp1:
0x1b: {  	_ = 	snop;
	(pc) =	sbr.rel @!p0 .LBB2_13-.Ltmp1, $3  }
0x1c: {  	_ =	sdelay $0x1  }
0x1d: {  	[sflag:s0] =	ssyncset.done $0x0  }
0x1e: {  	[sflag:s0] =	ssyncadd.s32 $0xFFFF8000  }
.LBB2_1:
0x1f: {  	s4 =	rddreg [dreg:$0x3]  }
0x20: {  	[tilespmem:s2], [sflag:$0x7] =	stream.linear.gather [hbm4b:s4+s2], $0x6400, $0x38;
	[tilespmem:$0x1E400] =	vst v63  }
0x21: {  	_ =	swait.ge [sflag:s7], $0x6400  }
0x22: {  	[sflag:s7] =	ssyncset.done $0x0  }
0x23: {  	s6 =	simm.s32 $0x0;
	s21 =	simm.s32 $0x40;
	[sflag:s7] =	ssyncadd.s32 $0xFFFF9C00  }
.LBB2_2:
0x24: {  	p0 =	sne.s32 s21, $0x18FC0;
	v0 =	vld [tilespmem:s6+$0x0];
	_ =	sdelay $0x4  }
0x25: {  	v1 =	vshrl.u32 v0, $0xA  }
0x26: {  	v2 =	vand.u32 $0x3FF, v0;
	v0 =	vshll.u32 v0, $0x8;
	v3 =	vshll.u32 v1, $0x8  }
0x27: {  	v0 =	vor.u32 v2, v0;
	v1 =	vor.u32 v1, v3  }
0x28: {  	v0 =	vand.u32 $0x300FF, v0;
	v1 =	vand.u32 $0xFF00FF, v1  }
0x29: {  	v3 =	vshll.u32 v0, $0x4;
	v2 =	vshll.u32 v1, $0x4  }
0x2a: {  	v0 =	vor.u32 v0, v3;
	v1 =	vor.u32 v1, v2  }
0x2b: {  	v0 =	vand.u32 $0x30F0F, v0;
	v1 =	vand.u32 $0xF0F0F0F, v1  }
0x2c: {  	v3 =	vshll.u32 v0, $0x2;
	v2 =	vshll.u32 v1, $0x2  }
0x2d: {  	v0 =	vor.u32 v0, v3;
	v1 =	vor.u32 v1, v2  }
0x2e: {  	v0 =	vand.u32 $0x33333, v0;
	v1 =	vand.u32 $0x33333333, v1  }
.Ltmp2:
0x2f: {  	v3 =	vshll.u32 v0, $0x1;
	v2 =	vshll.u32 v1, $0x2;
	v1 =	vshll.u32 v1, $0x1;
	(pc) =	sbr.rel @p0 .LBB2_2-.Ltmp2, $4  }
0x30: {  	v0 =	vor.u32 v0, v3;
	v1 =	vor.u32 v1, v2  }
0x31: {  	v0 =	vand.u32 $0x55555, v0;
	v1 =	vand.u32 $0xAAAAAAAA, v1  }
0x32: {  	v0 =	vor.u32 v0, v1  }
0x33: {  	[tilespmem:s6+$0x0] =	vst v0;
	s6 =	sshra.s32 s21, $0x2;
	s21 =	sadd.s32 $0x40, s21  }
0x34: {  	v0 =	vld [tilespmem:s6+$0x0];
	_ =	sdelay $0x4  }
0x35: {  	v1 =	vshrl.u32 v0, $0xA  }
0x36: {  	v2 =	vand.u32 $0x3FF, v0;
	v0 =	vshll.u32 v0, $0x8;
	v3 =	vshll.u32 v1, $0x8  }
0x37: {  	v0 =	vor.u32 v2, v0;
	v1 =	vor.u32 v1, v3  }
0x38: {  	v0 =	vand.u32 $0x300FF, v0;
	v1 =	vand.u32 $0xFF00FF, v1  }
0x39: {  	v59 =	vshll.u32 v0, $0x4;
	v58 =	vshll.u32 v1, $0x4  }
0x3a: {  	v0 =	vor.u32 v0, v59;
	v1 =	vor.u32 v1, v58  }
0x3b: {  	v0 =	vand.u32 $0x30F0F, v0;
	v1 =	vand.u32 $0xF0F0F0F, v1  }
0x3c: {  	v61 =	vshll.u32 v0, $0x2;
	v60 =	vshll.u32 v1, $0x2  }
0x3d: {  	v0 =	vor.u32 v0, v61;
	v1 =	vor.u32 v1, v60  }
0x3e: {  	v0 =	vand.u32 $0x33333, v0;
	v1 =	vand.u32 $0x33333333, v1  }
0x3f: {  	v63 =	vshll.u32 v0, $0x1;
	v62 =	vshll.u32 v1, $0x2;
	v1 =	vshll.u32 v1, $0x1  }
0x40: {  	v0 =	vor.u32 v0, v63;
	v1 =	vor.u32 v1, v62  }
0x41: {  	v0 =	vand.u32 $0x55555, v0;
	v1 =	vand.u32 $0xAAAAAAAA, v1  }
0x42: {  	v0 =	vor.u32 v0, v1  }
0x43: {  	s21 =	simm.s32 $0x0;
	[tilespmem:s6+$0x0] =	vst v0  }
0x44: {  	[tilespmem:s9], [sflag:$0x1] =	stream.indirect.gather [hbm4b:s3+s8], $0x40, s21, s8, $0xb8;
	[tilespmem:$0x1E400] =	vst v63  }
0x45: {  	_ = 	snop  }
0x46: {  	[tilespmem:s10], [sflag:$0x1] =	stream.indirect.gather [hbm4b:s3+s8], $0x40, s8, s8, $0xb8;
	[tilespmem:$0x1E400] =	vst v63  }
0x47: {  	s4 =	simm.s32 $0x100  }
0x48: {  	[tilespmem:s12], [sflag:$0x1] =	stream.indirect.gather [hbm4b:s3+s8], $0x40, s4, s8, $0xb8;
	[tilespmem:$0x1E400] =	vst v63  }
0x49: {  	s25 =	simm.s32 $0x180  }
0x4a: {  	[tilespmem:s14], [sflag:$0x1] =	stream.indirect.gather [hbm4b:s3+s8], $0x40, s25, s8, $0xb8;
	[tilespmem:$0x1E400] =	vst v63  }
0x4b: {  	s28 =	simm.s32 $0x200  }
0x4c: {  	[tilespmem:s16], [sflag:$0x2] =	stream.indirect.gather [hbm4b:s3+s8], $0x40, s28, s8, $0xb8;
	[tilespmem:$0x1E400] =	vst v63  }
0x4d: {  	s30 =	simm.s32 $0x280  }
0x4e: {  	[tilespmem:s18], [sflag:$0x2] =	stream.indirect.gather [hbm4b:s3+s8], $0x40, s30, s8, $0xb8;
	[tilespmem:$0x1E400] =	vst v63  }
0x4f: {  	s5 =	simm.s32 $0x300  }
0x50: {  	[tilespmem:s20], [sflag:$0x2] =	stream.indirect.gather [hbm4b:s3+s8], $0x40, s5, s8, $0xb8;
	[tilespmem:$0x1E400] =	vst v63  }
0x51: {  	s6 =	simm.s32 $0x380  }
0x52: {  	[tilespmem:s22], [sflag:$0x2] =	stream.indirect.gather [hbm4b:s3+s8], $0x40, s6, s8, $0xb8;
	[tilespmem:$0x1E400] =	vst v63  }
0x53: {  	s23 =	simm.s32 $0x400  }
0x54: {  	[tilespmem:s24], [sflag:$0x3] =	stream.indirect.gather [hbm4b:s3+s8], $0x40, s23, s8, $0xb8;
	[tilespmem:$0x1E400] =	vst v63  }
0x55: {  	s25 =	simm.s32 $0x480  }
0x56: {  	[tilespmem:s26], [sflag:$0x3] =	stream.indirect.gather [hbm4b:s3+s8], $0x40, s25, s8, $0xb8;
	[tilespmem:$0x1E400] =	vst v63  }
.Ltmp3:
0x57: {  	_ = 	snop;
	(pc) =	sbr.rel .LBB2_4-.Ltmp3, $4  }
0x58: {  	s28 =	simm.s32 $0x500  }
0x59: {  	[tilespmem:s29], [sflag:$0x3] =	stream.indirect.gather [hbm4b:s3+s8], $0x40, s28, s8, $0xb8;
	[tilespmem:$0x1E400] =	vst v63  }
0x5a: {  	s30 =	simm.s32 $0x580;
	s6 =	rddreg [dreg:$0x5];
	s23 =	simm.s32 $0xFFFFFFFF  }
0x5b: {  	[tilespmem:s31], [sflag:$0x3] =	stream.indirect.gather [hbm4b:s3+s8], $0x40, s30, s8, $0xb8;
	[tilespmem:$0x1E400] =	vst v63  }
.LBB2_10:
0x5c: {  	_ =	swait.ge [sflag:s13], $0x2000  }
0x5d: {  	[sflag:s13] =	ssyncset.done $0x0  }
0x5e: {  	[sflag:s13] =	ssyncadd.s32 $0xFFFFE000  }
0x5f: {  	_ =	swait.ge [sflag:s13], $0x2000  }
0x60: {  	[sflag:s13] =	ssyncset.done $0x0  }
0x61: {  	[sflag:s13] =	ssyncadd.s32 $0xFFFFE000  }
0x62: {  	_ =	swait.ge [sflag:s13], $0x2000  }
0x63: {  	[sflag:s13] =	ssyncset.done $0x0  }
0x64: {  	[sflag:s13] =	ssyncadd.s32 $0xFFFFE000  }
0x65: {  	_ =	swait.ge [sflag:s13], $0x2000  }
0x66: {  	[sflag:s13] =	ssyncset.done $0x0  }
0x67: {  	[sflag:s13] =	ssyncadd.s32 $0xFFFFE000  }
0x68: {  	[hbm4b:s6+s2] =	stream.linear.scatter [tilespmem:s24], [sflag:$0x6], $0x8000, $0x38;
	[tilespmem:$0x1E400] =	vst v63  }
.LBB2_11:
0x69: {  	s21 =	sadd.s32 $0x800, s21  }
0x6a: {  	p0 =	sne.s32 s21, $0x19000  }
.Ltmp4:
0x6b: {  	_ = 	snop;
	(pc) =	sbr.rel @!p0 .LBB2_12-.Ltmp4, $2  }
0x6c: {  	_ =	sdelay $0x2  }
0x6d: {  	s6 =	sadd.s32 $0x1000, s6  }
.LBB2_4:
0x6e: {  	p0 =	sgt.u32 s23, $0x2E  }
.Ltmp5:
0x6f: {  	_ = 	snop;
	(pc) =	sbr.rel @p0 .LBB2_8-.Ltmp5, $1  }
0x70: {  	_ =	sdelay $0x3  }
0x71: {  	s4 =	smul.u32 $0xAB, s23;
	_ =	sdelay $0x1  }
0x72: {  	s4 =	sshrl.u32 s4, $0x9  }
0x73: {  	s4 =	sand.u32 $0x7F, s4  }
0x74: {  	s4 =	smul.u32 $0x3, s4;
	_ =	sdelay $0x1  }
0x75: {  	s4 =	ssub.s32 s23, s4  }
0x76: {  	s25 =	sand.u32 $0xFF, s4  }
0x77: {  	p0 =	seq.s32 s25, $0x2  }
.Ltmp6:
0x78: {  	_ = 	snop;
	(pc) =	sbr.rel @p0 .LBB2_7-.Ltmp6, $4  }
0x79: {  	_ = 	snop  }
0x7a: {  	s28 =	sshra.s32 s21, $0x2  }
0x7b: {  	s5 =	sadd.s32 $0x400, s28  }
0x7c: {  	s30 =	sadd.s32 $0x500, s28;
	s4 =	sadd.s32 $0x480, s28;
	s28 =	sadd.s32 $0x580, s28  }
0x7d: {  	p0 =	seq.s32 s25, $0x1  }
0x7e: {  	_ =	swait.ge @p0 [sflag:s0], $0x8000  }
0x7f: {  	[sflag:s0] =	ssyncset.done @p0 $0x0  }
0x80: {  	[sflag:s0] =	ssyncadd.s32 @p0 $0xFFFF8000  }
0x81: {  	[tilespmem:s16], [sflag:$0x2] =	stream.indirect.gather @p0 [hbm4b:s3+s8], $0x40, s5, s8, $0xb8;
	[tilespmem:$0x1E400] =	vst v63  }
0x82: {  	_ = 	snop  }
0x83: {  	[tilespmem:s18], [sflag:$0x2] =	stream.indirect.gather @p0 [hbm4b:s3+s8], $0x40, s4, s8, $0xb8;
	[tilespmem:$0x1E400] =	vst v63  }
0x84: {  	_ = 	snop  }
0x85: {  	[tilespmem:s20], [sflag:$0x2] =	stream.indirect.gather @p0 [hbm4b:s3+s8], $0x40, s30, s8, $0xb8;
	[tilespmem:$0x1E400] =	vst v63  }
0x86: {  	_ = 	snop  }
0x87: {  	[tilespmem:s22], [sflag:$0x2] =	stream.indirect.gather @p0 [hbm4b:s3+s8], $0x40, s28, s8, $0xb8;
	[tilespmem:$0x1E400] =	vst v63  }
0x88: {  	_ =	swait.ge @!p0 [sflag:s11], $0x8000  }
0x89: {  	[sflag:s11] =	ssyncset.done @!p0 $0x0  }
0x8a: {  	[sflag:s11] =	ssyncadd.s32 @!p0 $0xFFFF8000  }
0x8b: {  	[tilespmem:s9], [sflag:$0x1] =	stream.indirect.gather @!p0 [hbm4b:s3+s8], $0x40, s5, s8, $0xb8;
	[tilespmem:$0x1E400] =	vst v63  }
0x8c: {  	_ = 	snop  }
0x8d: {  	[tilespmem:s10], [sflag:$0x1] =	stream.indirect.gather @!p0 [hbm4b:s3+s8], $0x40, s4, s8, $0xb8;
	[tilespmem:$0x1E400] =	vst v63  }
.Ltmp7:
0x8e: {  	_ = 	snop;
	(pc) =	sbr.rel .LBB2_8-.Ltmp7, $4  }
0x8f: {  	_ = 	snop  }
0x90: {  	[tilespmem:s12], [sflag:$0x1] =	stream.indirect.gather @!p0 [hbm4b:s3+s8], $0x40, s30, s8, $0xb8;
	[tilespmem:$0x1E400] =	vst v63  }
0x91: {  	_ = 	snop  }
0x92: {  	[tilespmem:s14], [sflag:$0x1] =	stream.indirect.gather @!p0 [hbm4b:s3+s8], $0x40, s28, s8, $0xb8;
	[tilespmem:$0x1E400] =	vst v63  }
.LBB2_7:
0x93: {  	_ =	swait.ge [sflag:s1], $0x8000  }
0x94: {  	[sflag:s1] =	ssyncset.done $0x0  }
0x95: {  	[sflag:s1] =	ssyncadd.s32 $0xFFFF8000  }
0x96: {  	[tilespmem:s24], [sflag:$0x3] =	stream.indirect.gather [hbm4b:s3+s8], $0x40, s5, s8, $0xb8;
	[tilespmem:$0x1E400] =	vst v63  }
0x97: {  	_ = 	snop  }
0x98: {  	[tilespmem:s26], [sflag:$0x3] =	stream.indirect.gather [hbm4b:s3+s8], $0x40, s4, s8, $0xb8;
	[tilespmem:$0x1E400] =	vst v63  }
0x99: {  	_ = 	snop  }
0x9a: {  	[tilespmem:s29], [sflag:$0x3] =	stream.indirect.gather [hbm4b:s3+s8], $0x40, s30, s8, $0xb8;
	[tilespmem:$0x1E400] =	vst v63  }
0x9b: {  	_ = 	snop  }
0x9c: {  	[tilespmem:s31], [sflag:$0x3] =	stream.indirect.gather [hbm4b:s3+s8], $0x40, s28, s8, $0xb8;
	[tilespmem:$0x1E400] =	vst v63  }
.LBB2_8:
0x9d: {  	s23 =	sadd.s32 $0x1, s23  }
0x9e: {  	s4 =	smul.u32 $0xAB, s23;
	_ =	sdelay $0x1  }
0x9f: {  	s4 =	sshrl.u32 s4, $0x9  }
0xa0: {  	s4 =	sand.u32 $0x7F, s4  }
0xa1: {  	s4 =	smul.u32 $0x3, s4;
	_ =	sdelay $0x1  }
0xa2: {  	s4 =	ssub.s32 s23, s4  }
0xa3: {  	s4 =	sand.u32 $0xFF, s4  }
0xa4: {  	p0 =	seq.s32 s4, $0x2  }
.Ltmp8:
0xa5: {  	_ = 	snop;
	(pc) =	sbr.rel @p0 .LBB2_10-.Ltmp8, $1  }
0xa6: {  	_ =	sdelay $0x3  }
0xa7: {  	p0 =	seq.s32 s4, $0x1  }
0xa8: {  	_ =	swait.ge @p0 [sflag:s15], $0x2000  }
0xa9: {  	[sflag:s15] =	ssyncset.done @p0 $0x0  }
0xaa: {  	[sflag:s15] =	ssyncadd.s32 @p0 $0xFFFFE000  }
0xab: {  	_ =	swait.ge @p0 [sflag:s15], $0x2000  }
0xac: {  	[sflag:s15] =	ssyncset.done @p0 $0x0  }
0xad: {  	[sflag:s15] =	ssyncadd.s32 @p0 $0xFFFFE000  }
0xae: {  	_ =	swait.ge @p0 [sflag:s15], $0x2000  }
0xaf: {  	[sflag:s15] =	ssyncset.done @p0 $0x0  }
0xb0: {  	[sflag:s15] =	ssyncadd.s32 @p0 $0xFFFFE000  }
0xb1: {  	_ =	swait.ge @p0 [sflag:s15], $0x2000  }
0xb2: {  	[sflag:s15] =	ssyncset.done @p0 $0x0  }
0xb3: {  	[sflag:s15] =	ssyncadd.s32 @p0 $0xFFFFE000  }
0xb4: {  	[hbm4b:s6+s2] =	stream.linear.scatter @p0 [tilespmem:s16], [sflag:$0x5], $0x8000, $0x38;
	[tilespmem:$0x1E400] =	vst v63  }
0xb5: {  	_ =	swait.ge @!p0 [sflag:s17], $0x2000  }
0xb6: {  	[sflag:s17] =	ssyncset.done @!p0 $0x0  }
0xb7: {  	[sflag:s17] =	ssyncadd.s32 @!p0 $0xFFFFE000  }
0xb8: {  	_ =	swait.ge @!p0 [sflag:s17], $0x2000  }
0xb9: {  	[sflag:s17] =	ssyncset.done @!p0 $0x0  }
0xba: {  	[sflag:s17] =	ssyncadd.s32 @!p0 $0xFFFFE000  }
0xbb: {  	_ =	swait.ge @!p0 [sflag:s17], $0x2000  }
0xbc: {  	[sflag:s17] =	ssyncset.done @!p0 $0x0  }
.Ltmp9:
0xbd: {  	[sflag:s17] =	ssyncadd.s32 @!p0 $0xFFFFE000;
	(pc) =	sbr.rel .LBB2_11-.Ltmp9, $4  }
0xbe: {  	_ =	swait.ge @!p0 [sflag:s17], $0x2000  }
0xbf: {  	[sflag:s17] =	ssyncset.done @!p0 $0x0  }
0xc0: {  	[sflag:s17] =	ssyncadd.s32 @!p0 $0xFFFFE000  }
0xc1: {  	[hbm4b:s6+s2] =	stream.linear.scatter @!p0 [tilespmem:s9], [sflag:$0x4], $0x8000, $0x38;
	[tilespmem:$0x1E400] =	vst v63  }
.LBB2_13:
0xc2: {  	_ =	sfence.sel $0x180000  }
0xc3: {  	[bflag:$0x0] =	sbarrier.arrive $0xFFFF  }
0xc4: {  	_ =	strace $0x90000047  }
0xc5: {  	s0 =	stileid.u32;
	[bflag:$0x2] =	sbarrier.arrive $0xFFFF  }
0xc6: {  	p0 =	sne.s32 s0, $0x0;
	s0 =	rddreg [dreg:$0x2]  }
0xc7: {  	s0 =	sadd.s32 @!p0 $0x100000, s0  }
0xc8: {  	[sflag:s0] =	ssyncadd.tile.s32 @!p0 $0x1;
	_ =	shalt  }
.Lfunc_end2:
_tile_overlayer_lowered:
.L_overlay_start_2:
0xc9: {  	(tag) =	ssettag $0x2  }
0xca: {  	s0 =	rddreg [dreg:$0x0];
	s2 =	stileid.u32  }
0xcb: {  	s1 =	rddreg [dreg:$0x1];
	p0 =	sne.s32 s2, $0x0  }
0xcc: {  	s3 =	rddreg [dreg:$0x2];
	[bflag:$0x3] =	sbarrier.arrive $0xFFFF;
	s2 =	simm.s32 @!p0 $0x1C07  }
0xcd: {  	[timem:s3], [sflag:s2] =	dma.local @!p0 [hbm:s0], s1  }
0xce: {  	s0 =	simm.s32 @!p0 $0x7  }
0xcf: {  	_ =	swait.ge @!p0 [sflag:s0], s1  }
0xd0: {  	s1 =	ssub.s32 @!p0 $0x0, s1;
	[sflag:s0] =	ssyncset.done @!p0 $0x0  }
0xd1: {  	[sflag:s0] =	ssyncadd.s32 @!p0 s1  }
0xd2: {  	[bflag:$0x3] =	sbarrier.arrive $0xFFFF  }
0xd3: {  	_ =	shalt  }

// kernel: sparse-core-data-format-call.cloned.1.call-start
scs
called_computation_lowered:
.L_overlay_start_0:
0x0: {  	s2 =	sld [smem:$0x3FD9]  }
0x1: {  	s3 =	sld [smem:$0x3FFE];
	_ =	sdelay $0x1  }
0x2: {  	s1 =	srdreg.scid  }
0x3: {  	s0 =	sand.u32 $0x1, s1  }
0x4: {  	s18 =	sshll.u32 s0, $0xA;
	s2 =	sadd.s32 s3, s2  }
0x5: {  	s2 =	sadd.s32 s2, s18  }
0x6: {  	[smem:$0x3FC6] =	sst s2  }
0x7: {  	_ = 	snop  }
0x8: {  	s2 =	sld [smem:$0x3FD0];
	(tm) =	ssettm $0x1  }
0x9: {  	s19 =	sld [smem:$0x3FFB];
	_ =	sdelay $0x3  }
0xa: {  	_ =	strace s19  }
0xb: {  	s3 =	sld [smem:$0x3FFC];
	_ =	sdelay $0x3  }
0xc: {  	_ =	strace s3  }
0xd: {  	s3 =	sld [smem:$0x3FFD];
	_ =	sdelay $0x3  }
0xe: {  	_ =	strace s3  }
0xf: {  	_ =	strace $0x8FFFFFFF  }
0x10: {  	s20 =	sld [smem:$0x3FDB];
	_ =	sdelay $0x1  }
0x11: {  	s4 =	simm.s32 $_scs_section_size  }
0x12: {  	s5 =	simm.s32 $_size__tile_overlayer_lowered;
	s6 =	simm.s32 $_tile_overlayer_lowered  }
0x13: {  	s23 =	simm.s32 $0x1BFF;
	s22 =	sshll.u32 s6, $0x1;
	s3 =	sadd.s32 s4, s20  }
0x14: {  	s7 =	simm.s32 $0x0;
	s21 =	sshll.u32 s5, $0x1;
	s5 =	sadd.s32 s22, s3  }
0x15: {  	[timem:s7], [sflag:s23] =	dma.local [hbm:s5], s21  }
0x16: {  	_ =	swait.ge [sflag:s23], s21  }
0x17: {  	s4 =	ssub.s32 $0x0, s21;
	[sflag:s23] =	ssyncset.done $0x0  }
0x18: {  	[sflag:s23] =	ssyncadd.s32 s4;
	_ =	sdelay $0x1  }
0x19: {  	s24 =	simm.s32 $0x1B8B  }
0x1a: {  	_ =	swait.ge [sflag:s24], $0x1  }
0x1b: {  	[sflag:s24] =	ssyncset.done $0x0  }
0x1c: {  	s26 =	simm.s32 $0x1B8E;
	s25 =	sld [smem:$0x3FFE];
	[sflag:s24] =	ssyncadd.s32 $0xFFFFFFFF  }
0x1d: {  	s27 =	simm.s32 $execute0_lowered;
	[smem:$0x3FD2] =	sst s26  }
0x1e: {  	s5 =	sshll.u32 s27, $0x1;
	_ =	strace $0x80000049;
	[dreg:$0x1] =	wrdreg $0xFFFFFFFF  }
0x1f: {  	s28 =	simm.s32 $_size_execute0_lowered;
	s3 =	sadd.s32 s3, s5;
	[dreg:$0x0] =	wrdreg $0x0  }
0x20: {  	s5 =	sshll.u32 s28, $0x1;
	[dreg:$0x2] =	wrdreg s3  }
0x21: {  	[dreg:$0x3] =	wrdreg s5  }
0x22: {  	[dreg:$0x4] =	wrdreg $0xC0  }
0x23: {  	_ =	task [dreg:s7], $0x5FFFF  }
0x24: {  	[dreg:$0x1] =	wrdreg $0xFFFFFFFF  }
0x25: {  	[dreg:$0x0] =	wrdreg $0x60  }
0x26: {  	[dreg:$0x2] =	wrdreg s25  }
0x27: {  	[dreg:$0x3] =	wrdreg s2  }
0x28: {  	[dreg:$0x4] =	wrdreg $0x9  }
0x29: {  	_ =	task.clear_ibuf [dreg:s7], $0x5FFFF;
	_ =	strace $0x90000049  }
0x2a: {  	s29 =	simm.s32 $0x9;
	_ =	strace $0x8000004B  }
0x2b: {  	_ =	swait.ge [sflag:s29], $0x1  }
0x2c: {  	[sflag:s29] =	ssyncadd.s32 $0xFFFFFFFF  }
0x2d: {  	_ =	strace $0x9000004B  }
0x2e: {  	_ =	sfence  }
0x2f: {  	s30 =	sld [smem:$0x0];
	_ =	sdelay $0x2  }
0x30: {  	s31 =	sshll.u32 s1, $0xD;
	s1 =	sshrl.u32 s1, $0x2  }
0x31: {  	s3 =	sand.u32 $0x4000, s31;
	s1 =	sadd.s32 s1, s30  }
0x32: {  	s0 =	sor.u32 s3, s0;
	s1 =	sshll.u32 s1, $0x11  }
0x33: {  	s0 =	sor.u32 s1, s0  }
0x34: {  	s0 =	sadd.s32 $0x8F2B, s0  }
0x35: {  	[sflag:s0] =	ssyncadd.remote.s32 $0x1  }
0x36: {  	_ =	sfence.sel $0xFFFF  }
0x37: {  	[dreg:$0x0] =	wrdreg $0xFFFFFFFF;
	(pc) =	sbr.abs _section_cstart, $3  }
0x38: {  	[dreg:$0x1] =	wrdreg $0xFFFFFFFF  }
0x39: {  	_ =	task.clear_ibuf [dreg:s7], $0x2FFFF;
	_ =	strace $0x9FFFFFFF  }
0x3a: {  	(tm) =	ssettm $0x7FFFFFFF  }
0x3b: {  	_ =	shalt  }
tec
execute0_lowered:
.L_overlay_start_1:
0x0: {  	(tag) =	ssettag $0x1  }
0x1: {  	s0 =	srdreg.scid  }
0x2: {  	s1 =	sshll.u32 s0, $0x4  }
0x3: {  	s0 =	stileid.u32;
	s1 =	sand.u32 $0x10, s1  }
0x4: {  	s1 =	sor.u32 s0, s1  }
0x5: {  	s6 =	rddreg [dreg:$0x0];
	s4 =	simm.s32 $0x1;
	s2 =	sshll.u32 s1, $0x7  }
0x6: {  	s7 =	simm.s32 $0x2;
	s12 =	simm.s32 $0x0;
	s1 =	ssub.s32 $0x1000, s2  }
0x7: {  	s8 =	simm.s32 $0x8000;
	s13 =	simm.s32 $0x0;
	s3 =	sand.u32 $0xF80, s1  }
0x8: {  	s9 =	simm.s32 $0x0;
	s5 =	sshrl.u32 s1, $0xC;
	p0 =	sne.s32 s3, $0x0  }
.Ltmp0:
0x9: {  	s1 =	rddreg [dreg:$0x2];
	s4 =	simm.s32 @!p0 $0x0;
	(pc) =	sbr.rel .LBB1_1-.Ltmp0, $4  }
0xa: {  	s11 =	simm.s32 $0x0;
	s3 =	rddreg [dreg:$0x1];
	s5 =	sadd.s32 s4, s5  }
0xb: {  	_ =	strace $0x8000004A;
	s4 =	simm.s32 $0x1;
	s5 =	smul.u32 $0xC8, s5  }
0xc: {  	s6 =	sadd.s32 $0xA00, s6;
	s10 =	smov.u32 s2;
	[sflag:s4] =	ssyncpa.u1 $0x0  }
0xd: {  	p0 =	por $0x0, $0x0;
	[sflag:s7] =	ssyncpa.u1 $0x0;
	s7 =	sor.u32 $0x1, s5  }
.LBB1_4:
0xe: {  	s16 =	sshll.u32 s13, $0x3;
	s17 =	sand.u32 $0x78, s13  }
0xf: {  	s30 =	sand.u32 $0x7E00, s13;
	s12 =	sshll.u32 s12, $0xF;
	s16 =	sand.u32 $0xC00, s16  }
0x10: {  	[tilespmem:s15+$0x810 ss:$0x81] =	vst.msk $0xffff, v2;
	s31 =	sand.u32 $0x7, s13;
	s16 =	sor.u32 s17, s16;
	s17 =	sadd.s32 s3, s30  }
0x11: {  	[tilespmem:s15+$0x1020 ss:$0x81] =	vst.msk $0xffff, v0;
	s13 =	sshll.u32 s31, $0x12;
	s12 =	sadd.s32 s12, s17;
	s16 =	sshrl.u32 s16, $0x3  }
0x12: {  	[tilespmem:s15+$0x0 ss:$0x81] =	vst.msk $0xffff, v1;
	s13 =	sor.u32 $0x400, s13;
	s12 =	sadd.s32 s16, s12  }
0x13: {  	[hbm4b:s12+s13] =	stream.strided.scatter [tilespmem:s14], [sflag:$0x2], $0x2000, s8, s13, $0x20;
	[tilespmem:$0x8080] =	vst v63  }
.LBB1_5:
0x14: {  	s14 =	sadd.s32 $0x1, s9  }
0x15: {  	s12 =	sadd.s32 $0x1000, s10;
	s16 =	smov.u32 s10;
	p2 =	sgt.s32 s14, $0xC7  }
0x16: {  	s16 =	smov.u32 @p2 s12  }
0x17: {  	s14 =	simm.s32 @p2 $0x0;
	p2 =	sgt.s32 s16, $0xFFF  }
0x18: {  	s16 =	smov.u32 @p2 s2;
	p2 =	sne.s32 s11, s7  }
.Ltmp1:
0x19: {  	p1 =	slt.u32 s11, $0x2;
	(pc) =	sbr.rel @!p2 .LBB1_6-.Ltmp1, $4  }
0x1a: {  	s15 =	simm.s32 @!p1 $0x2  }
0x1b: {  	s13 =	smov.u32 s10;
	p0 =	por !p0, !p0;
	_ =	swait.ge @!p1 [sflag:s15], $0x2000  }
0x1c: {  	s12 =	smov.u32 s9;
	[sflag:s15] =	ssyncset.done @!p1 $0x0;
	s9 =	smov.u32 s14  }
0x1d: {  	s11 =	sadd.s32 $0x1, s11;
	[sflag:s15] =	ssyncadd.s32 @!p1 $0xFFFFE000;
	s10 =	smov.u32 s16  }
.LBB1_1:
0x1e: {  	p1 =	sge.u32 s11, s5  }
0x1f: {  	s14 =	sand.u32 @!p1 $0x1FFFFFF, s9  }
0x20: {  	s15 =	smulhi.u32 @!p1 $0x147AE15, s14;
	_ =	sdelay $0x1  }
0x21: {  	s15 =	smul.u32 @!p1 $0xC8, s15  }
0x22: {  	s16 =	sxor.u32 @!p1 $0xFFFFFFFF, s11;
	s17 =	smul.u32 @!p1 $0xC80, s10  }
0x23: {  	s31 =	sadd.s32 $0xFFFFFFFF, s11;
	s16 =	sshll.u32 @!p1 s16, $0xD;
	s14 =	ssub.s32 @!p1 s14, s15  }
0x24: {  	s15 =	sand.u32 @!p1 $0x2000, s16;
	s16 =	sadd.s32 @!p1 s6, s17;
	s14 =	sshll.u32 @!p1 s14, $0x4  }
0x25: {  	s17 =	simm.s32 @!p1 $0x6400;
	s14 =	sadd.s32 @!p1 s14, s16;
	s16 =	simm.s32 @!p1 $0x40  }
0x26: {  	[tilespmem:s15], [sflag:$0x1] =	stream.strided.gather @!p1 [hbm4b:s14+s16], $0x2000, s17, s16, $0x38;
	[tilespmem:$0x8080] =	vst v63  }
0x27: {  	p1 =	sge.u32 s31, s5  }
.Ltmp2:
0x28: {  	_ = 	snop;
	(pc) =	sbr.rel @p1 .LBB1_5-.Ltmp2, $1  }
0x29: {  	_ =	sdelay $0x3  }
0x2a: {  	s14 =	simm.s32 $0x1  }
0x2b: {  	_ =	swait.ge [sflag:s4], $0x2000;
	s14 =	simm.s32 @!p0 $0x0  }
0x2c: {  	[sflag:s4] =	ssyncset.done $0x0;
	s15 =	sshll.u32 s14, $0xD  }
0x2d: {  	[sflag:s4] =	ssyncadd.s32 $0xFFFFE000;
	s18 =	sor.u32 $0x20, s15  }
0x2e: {  	s14 =	smul.u32 $0x8100, s14;
	v3 =	vld [tilespmem:s18+$0x10]  }
0x2f: {  	s30 =	sand.u32 $0x1, s11;
	v2 =	vld [tilespmem:s18+$0xFFFFFFF0]  }
0x30: {  	s15 =	smul.u32 $0x8100, s30;
	s14 =	sshrl.u32 s14, $0x2;
	v0 =	vld [tilespmem:s18+$0x0]  }
0x31: {  	v1 =	vld [tilespmem:s18+$0xFFFFFFE0];
	s16 =	sor.u32 $0x4000, s14  }
0x32: {  	s31 =	sshrl.u32 s15, $0x2;
	s15 =	sadd.s32 $0x0, s16  }
0x33: {  	s17 =	simm.s32 $0x4;
	s18 =	sadd.s32 $0x40, s18;
	s14 =	sor.u32 $0x4000, s31;
	[tilespmem:s15+$0x1830 ss:$0x81] =	vst.msk $0xffff, v3  }
.LBB1_3:
0x34: {  	v3 =	vld [tilespmem:s18+$0x10];
	p1 =	sne.s32 s17, $0x1FC;
	[tilespmem:s15+$0x810 ss:$0x81] =	vst.msk $0xffff, v2;
	s19 =	smov.u32 s17;
	s17 =	sadd.s32 $0x4, s17  }
.Ltmp3:
0x35: {  	v2 =	vld [tilespmem:s18+$0xFFFFFFF0];
	[tilespmem:s15+$0x1020 ss:$0x81] =	vst.msk $0xffff, v0;
	(pc) =	sbr.rel @p1 .LBB1_3-.Ltmp3, $4  }
0x36: {  	v0 =	vld [tilespmem:s18+$0x0];
	[tilespmem:s15+$0x0 ss:$0x81] =	vst.msk $0xffff, v1  }
0x37: {  	s15 =	sshra.s32 s19, $0x2;
	v1 =	vld [tilespmem:s18+$0xFFFFFFE0]  }
0x38: {  	s15 =	sadd.s32 s15, s16  }
0x39: {  	s18 =	sadd.s32 $0x40, s18;
	[tilespmem:s15+$0x1830 ss:$0x81] =	vst.msk $0xffff, v3  }
.Ltmp4:
0x3a: {  	_ = 	snop;
	(pc) =	sbr.rel .LBB1_4-.Ltmp4, $1  }
0x3b: {  	_ =	sdelay $0x3  }
.LBB1_6:
0x3c: {  	_ =	sfence.sel $0x180000  }
0x3d: {  	s2 =	simm.s32 $0x1;
	[bflag:$0x0] =	sbarrier.arrive $0xFFFF  }
0x3e: {  	s31 =	simm.s32 $0x2;
	[sflag:s2] =	ssyncpa.u1 $0x1  }
0x3f: {  	[sflag:s31] =	ssyncpa.u1 $0x1  }
0x40: {  	p0 =	sne.s32 s0, $0x0;
	_ =	strace $0x9000004A  }
0x41: {  	s0 =	sadd.s32 @!p0 $0x100000, s1;
	[bflag:$0x2] =	sbarrier.arrive $0xFFFF  }
0x42: {  	[sflag:s0] =	ssyncadd.tile.s32 @!p0 $0x1;
	_ =	shalt  }
.Lfunc_end1:
_tile_overlayer_lowered:
.L_overlay_start_2:
0x43: {  	(tag) =	ssettag $0x2  }
0x44: {  	s0 =	rddreg [dreg:$0x0];
	s2 =	stileid.u32  }
0x45: {  	s1 =	rddreg [dreg:$0x1];
	p0 =	sne.s32 s2, $0x0  }
0x46: {  	s3 =	rddreg [dreg:$0x2];
	[bflag:$0x3] =	sbarrier.arrive $0xFFFF;
	s2 =	simm.s32 @!p0 $0x1C01  }
0x47: {  	[timem:s3], [sflag:s2] =	dma.local @!p0 [hbm:s0], s1  }
0x48: {  	s0 =	simm.s32 @!p0 $0x1  }
0x49: {  	_ =	swait.ge @!p0 [sflag:s0], s1  }
0x4a: {  	s1 =	ssub.s32 @!p0 $0x0, s1;
	[sflag:s0] =	ssyncset.done @!p0 $0x0  }
0x4b: {  	[sflag:s0] =	ssyncadd.s32 @!p0 s1  }
0x4c: {  	[bflag:$0x3] =	sbarrier.arrive $0xFFFF  }
0x4d: {  	_ =	shalt  }

</sc_bundles>
